<compile_context>
chip_gen: v7x
topology: tpu7x:2x2x1
jax: 0.10.2.dev20260603
libtpu: 0.0.44.dev20260713+nightly
codegen_flags: <defaults>
</compile_context>

<pallas_src>
import functools
import math

import jax
import jax.numpy as jnp
from jax import lax
from jax.experimental import pallas as pl
from jax.experimental.pallas import tpu as pltpu
from jax.experimental.pallas import tpu_sc as plsc

_VOCAB = 1000000
_DIM = 64
_B = 16384
_L = 200
_N = _B * _L
_NC = 2
_NS = 16
_NW = _NC * _NS
_CHUNK = 800
_SCALE = math.sqrt(_DIM)

_mesh = plsc.VectorSubcoreMesh(core_axis_name="c", subcore_axis_name="s")


def _make_gather(n):
    per_w = n // _NW
    steps = per_w // _CHUNK

    @functools.partial(
        pl.kernel,
        out_type=jax.ShapeDtypeStruct((n, _DIM), jnp.float32),
        mesh=_mesh,
        scratch_types=[
            pltpu.VMEM((_CHUNK,), jnp.int32),
            pltpu.VMEM((_CHUNK,), jnp.int32),
            pltpu.VMEM((_CHUNK, _DIM), jnp.float32),
            pltpu.VMEM((_CHUNK, _DIM), jnp.float32),
            pltpu.SemaphoreType.DMA,
            pltpu.SemaphoreType.DMA,
            pltpu.SemaphoreType.DMA,
            pltpu.SemaphoreType.DMA,
        ],
        compiler_params=pltpu.CompilerParams(use_tc_tiling_on_sc=False),
    )
    def _embed_gather(table_hbm, idx_hbm, out_hbm,
                      idx0, idx1, rows0, rows1, g0, g1, s0, s1):
        wid = lax.axis_index("s") * _NC + lax.axis_index("c")
        base = wid * per_w
        idx_v = (idx0, idx1)
        rows_v = (rows0, rows1)
        gsem = (g0, g1)
        ssem = (s0, s1)

        def stage(i, b):
            pltpu.sync_copy(idx_hbm.at[pl.ds(base + i * _CHUNK, _CHUNK)], idx_v[b])
            pltpu.async_copy(table_hbm.at[idx_v[b]], rows_v[b], gsem[b])

        def scale_rows(rv):
            def scale_row(r, carry):
                for c in range(_DIM // 16):
                    sl = pl.ds(c * 16, 16)
                    rv[r, sl] = rv[r, sl] * _SCALE
                return carry
            lax.fori_loop(0, _CHUNK, scale_row, 0, unroll=4)

        stage(0, 0)

        def outer(g, carry):
            for b in range(2):
                i = 2 * g + b
                nb = 1 - b
                pltpu.make_async_copy(
                    table_hbm.at[idx_v[b]], rows_v[b], gsem[b]).wait()
                if b == 0:
                    @pl.when(g > 0)
                    def _wait_prev_store():
                        pltpu.make_async_copy(
                            rows_v[nb], out_hbm.at[pl.ds(base, _CHUNK)],
                            ssem[nb]).wait()
                    stage(i + 1, nb)
                else:
                    @pl.when(g < steps // 2 - 1)
                    def _prefetch():
                        pltpu.make_async_copy(
                            rows_v[nb], out_hbm.at[pl.ds(base, _CHUNK)],
                            ssem[nb]).wait()
                        stage(i + 1, nb)
                scale_rows(rows_v[b])
                pltpu.async_copy(
                    rows_v[b], out_hbm.at[pl.ds(base + i * _CHUNK, _CHUNK)],
                    ssem[b])
            return carry

        lax.fori_loop(0, steps // 2, outer, 0)
        pltpu.make_async_copy(rows0, out_hbm.at[pl.ds(base, _CHUNK)], s0).wait()
        pltpu.make_async_copy(rows1, out_hbm.at[pl.ds(base, _CHUNK)], s1).wait()

    return _embed_gather


_half_gather = _make_gather(_N // 2)


def kernel(tokens, table):
    flat = tokens.reshape(_N)
    a = _half_gather(table, flat[:_N // 2]).reshape(_B // 2, _L, _DIM)
    b = _half_gather(table, flat[_N // 2:]).reshape(_B // 2, _L, _DIM)
    return jnp.concatenate([a, b], axis=0)

# --- scband reference (transcript-rebuilt; emitter-appended) ---
"""Pipeline reference for scband-transformer-embeddings-50929722196276 (READ-ONLY COPY).

The authoritative reference and input builder live on the scoring server;
editing this copy changes nothing except your own understanding.
"""

import math
import jax, jax.numpy as jnp
import numpy as np

VOCAB = 1000000
DIM = 64
B = 16384
L = 200

def setup_inputs(seed: int = 0) -> dict:
    key = jax.random.key(seed)
    k_tok, k_tab = jax.random.split(key)
    tokens = jax.random.randint(k_tok, (B, L), 0, VOCAB, dtype=jnp.int64 if jax.config.jax_enable_x64 else jnp.int32)
    table = jax.random.normal(k_tab, (VOCAB, DIM), dtype=jnp.float32) * 0.02
    return {"tokens": tokens, "table": table}

def reference(tokens, table):
    # Faithful translation of: self.embedding(tokens) * math.sqrt(self.dim)
    emb = jnp.take(table, tokens, axis=0)
    return emb * math.sqrt(DIM)

if __name__ == "__main__":
    import jax
    _d = setup_inputs()
    print(jax.jit(kernel)(*tuple(_d.values())))

</pallas_src>

<mosaic_0001>
#map = affine_map<(d0, d1) -> (0, 0)>
#map1 = affine_map<(d0, d1) -> (0)>
module attributes {stable_mosaic.version = 14 : i64} {
  func.func @_embed_gather(%arg0: i32, %arg1: i32, %arg2: memref<1000000x64xf32, #tpu.memory_space<hbm>>, %arg3: memref<1638400xi32, #tpu.memory_space<hbm>>, %arg4: memref<1638400x64xf32, #tpu.memory_space<hbm>>, %arg5: memref<800xi32, #tpu.memory_space<vmem>>, %arg6: memref<800xi32, #tpu.memory_space<vmem>>, %arg7: memref<800x64xf32, #tpu.memory_space<vmem>>, %arg8: memref<800x64xf32, #tpu.memory_space<vmem>>, %arg9: memref<!tpu.dma_semaphore, #tpu.memory_space<semaphore_mem>>, %arg10: memref<!tpu.dma_semaphore, #tpu.memory_space<semaphore_mem>>, %arg11: memref<!tpu.dma_semaphore, #tpu.memory_space<semaphore_mem>>, %arg12: memref<!tpu.dma_semaphore, #tpu.memory_space<semaphore_mem>>) attributes {dimension_semantics = [#tpu.dimension_semantics<core_parallel>, #tpu.dimension_semantics<subcore_parallel>], iteration_bounds = array<i64: 2, 16>, scalar_prefetch = 0 : i64, scratch_operands = 8 : i64, tpu.core_type = #tpu.core_type<sc_vector_subcore>, window_params = [{transform_indices = #map}, {transform_indices = #map1}, {transform_indices = #map}]} {
    %mul3A = arith.constant 2 : i32
    %mul3A_0 = arith.muli %arg1, %mul3A : i32
    %add3A = arith.addi %mul3A_0, %arg0 : i32
    %mul3A_1 = arith.constant 51200 : i32
    %mul3A_2 = arith.muli %add3A, %mul3A_1 : i32
    %add3A_3 = arith.constant 0 : i32
    %add3A_4 = arith.addi %mul3A_2, %add3A_3 : i32
    "tpu.region"() ({
      %run_scoped3A = tpu.sem_alloc : memref<!tpu.dma_semaphore, #tpu.memory_space<semaphore_mem>>
      %dma_start3A_19 = tpu.memref_slice %arg3[%add3A_4] : memref<1638400xi32, #tpu.memory_space<hbm>> -> memref<800xi32, #tpu.memory_space<hbm>>
      %dma_start3A_20 = tpu.memref_slice %arg3[%add3A_4] : memref<1638400xi32, #tpu.memory_space<hbm>> -> memref<800xi32, #tpu.memory_space<hbm>>
      tpu.enqueue_dma source(%dma_start3A_20 : memref<800xi32, #tpu.memory_space<hbm>>) target(%arg5 : memref<800xi32, #tpu.memory_space<vmem>>) target_semaphore(%run_scoped3A : memref<!tpu.dma_semaphore, #tpu.memory_space<semaphore_mem>>)
      %dma_wait3A_21 = tpu.memref_slice %arg3[%add3A_4] : memref<1638400xi32, #tpu.memory_space<hbm>> -> memref<800xi32, #tpu.memory_space<hbm>>
      %dma_wait3A_22 = tpu.memref_slice %arg3[%add3A_4] : memref<1638400xi32, #tpu.memory_space<hbm>> -> memref<800xi32, #tpu.memory_space<hbm>>
      tpu.wait_dma2 semaphore(%run_scoped3A : memref<!tpu.dma_semaphore, #tpu.memory_space<semaphore_mem>>) src(%dma_wait3A_22 : memref<800xi32, #tpu.memory_space<hbm>>) dst(%arg5 : memref<800xi32, #tpu.memory_space<vmem>>)
      tpu.yield
    }) : () -> ()
    %dma_start3A = arith.constant 0 : i32
    %dma_start3A_5 = arith.constant 0 : i32
    %dma_start3A_6 = tpu.memref_slice %arg2[%dma_start3A, %dma_start3A_5] : memref<1000000x64xf32, #tpu.memory_space<hbm>> -> memref<1000000x64xf32, #tpu.memory_space<hbm>>
    tpu.enqueue_indirect_dma source(%dma_start3A_6 : memref<1000000x64xf32, #tpu.memory_space<hbm>>) target(%arg7 : memref<800x64xf32, #tpu.memory_space<vmem>>) offsets(%arg5 : memref<800xi32, #tpu.memory_space<vmem>>) semaphore(%arg9 : memref<!tpu.dma_semaphore, #tpu.memory_space<semaphore_mem>>)
    %scan3A = arith.constant 0 : i32
    %scan3A_7 = arith.constant 0 : i32
    %scan3A_8 = arith.constant 32 : i32
    %scan3A_9 = arith.addi %scan3A_7, %scan3A_8 : i32
    %scan3A_10 = arith.constant 1 : i32
    scf.for %scan3A_19 = %scan3A_7 to %scan3A_9 step %scan3A_10  : i32 {
      %mul3A_20 = arith.constant 2 : i32
      %mul3A_21 = arith.muli %mul3A_20, %scan3A_19 : i32
      %add3A_22 = arith.constant 0 : i32
      %add3A_23 = arith.addi %mul3A_21, %add3A_22 : i32
      %dma_wait3A_24 = arith.constant 0 : i32
      %dma_wait3A_25 = arith.constant 0 : i32
      %dma_wait3A_26 = tpu.memref_slice %arg2[%dma_wait3A_24, %dma_wait3A_25] : memref<1000000x64xf32, #tpu.memory_space<hbm>> -> memref<1000000x64xf32, #tpu.memory_space<hbm>>
      tpu.wait_indirect_dma semaphore(%arg9 : memref<!tpu.dma_semaphore, #tpu.memory_space<semaphore_mem>>) src(%dma_wait3A_26 : memref<1000000x64xf32, #tpu.memory_space<hbm>>) dst(%arg7 : memref<800x64xf32, #tpu.memory_space<vmem>>)
      %gt3A = arith.constant 0 : i32
      %gt3A_27 = arith.cmpi sgt, %scan3A_19, %gt3A : i32
      %convert_element_type3A = arith.extui %gt3A_27 : i1 to i32
      %cond3A = arith.constant 0 : i32
      %cond3A_28 = arith.cmpi ne, %convert_element_type3A, %cond3A : i32
      scf.if %cond3A_28 {
        %dma_wait3A_74 = arith.constant 0 : i32
        %dma_wait3A_75 = tpu.memref_slice %arg4[%mul3A_2, %dma_wait3A_74] : memref<1638400x64xf32, #tpu.memory_space<hbm>> -> memref<800x64xf32, #tpu.memory_space<hbm>>
        %dma_wait3A_76 = arith.constant 0 : i32
        %dma_wait3A_77 = tpu.memref_slice %arg4[%mul3A_2, %dma_wait3A_76] : memref<1638400x64xf32, #tpu.memory_space<hbm>> -> memref<800x64xf32, #tpu.memory_space<hbm>>
        tpu.wait_dma2 semaphore(%arg12 : memref<!tpu.dma_semaphore, #tpu.memory_space<semaphore_mem>>) src(%arg8 : memref<800x64xf32, #tpu.memory_space<vmem>>) dst(%dma_wait3A_77 : memref<800x64xf32, #tpu.memory_space<hbm>>)
      } else {
      }
      %add3A_29 = arith.constant 1 : i32
      %add3A_30 = arith.addi %add3A_23, %add3A_29 : i32
      %mul3A_31 = arith.constant 800 : i32
      %mul3A_32 = arith.muli %add3A_30, %mul3A_31 : i32
      %add3A_33 = arith.addi %mul3A_2, %mul3A_32 : i32
      "tpu.region"() ({
        %run_scoped3A = tpu.sem_alloc : memref<!tpu.dma_semaphore, #tpu.memory_space<semaphore_mem>>
        %dma_start3A_74 = tpu.memref_slice %arg3[%add3A_33] : memref<1638400xi32, #tpu.memory_space<hbm>> -> memref<800xi32, #tpu.memory_space<hbm>>
        %dma_start3A_75 = tpu.memref_slice %arg3[%add3A_33] : memref<1638400xi32, #tpu.memory_space<hbm>> -> memref<800xi32, #tpu.memory_space<hbm>>
        tpu.enqueue_dma source(%dma_start3A_75 : memref<800xi32, #tpu.memory_space<hbm>>) target(%arg6 : memref<800xi32, #tpu.memory_space<vmem>>) target_semaphore(%run_scoped3A : memref<!tpu.dma_semaphore, #tpu.memory_space<semaphore_mem>>)
        %dma_wait3A_76 = tpu.memref_slice %arg3[%add3A_33] : memref<1638400xi32, #tpu.memory_space<hbm>> -> memref<800xi32, #tpu.memory_space<hbm>>
        %dma_wait3A_77 = tpu.memref_slice %arg3[%add3A_33] : memref<1638400xi32, #tpu.memory_space<hbm>> -> memref<800xi32, #tpu.memory_space<hbm>>
        tpu.wait_dma2 semaphore(%run_scoped3A : memref<!tpu.dma_semaphore, #tpu.memory_space<semaphore_mem>>) src(%dma_wait3A_77 : memref<800xi32, #tpu.memory_space<hbm>>) dst(%arg6 : memref<800xi32, #tpu.memory_space<vmem>>)
        tpu.yield
      }) : () -> ()
      %dma_start3A_34 = arith.constant 0 : i32
      %dma_start3A_35 = arith.constant 0 : i32
      %dma_start3A_36 = tpu.memref_slice %arg2[%dma_start3A_34, %dma_start3A_35] : memref<1000000x64xf32, #tpu.memory_space<hbm>> -> memref<1000000x64xf32, #tpu.memory_space<hbm>>
      tpu.enqueue_indirect_dma source(%dma_start3A_36 : memref<1000000x64xf32, #tpu.memory_space<hbm>>) target(%arg8 : memref<800x64xf32, #tpu.memory_space<vmem>>) offsets(%arg6 : memref<800xi32, #tpu.memory_space<vmem>>) semaphore(%arg10 : memref<!tpu.dma_semaphore, #tpu.memory_space<semaphore_mem>>)
      %scan3A_37 = arith.constant 0 : i32
      %scan3A_38 = arith.constant 0 : i32
      %scan3A_39 = arith.constant 800 : i32
      %scan3A_40 = arith.addi %scan3A_38, %scan3A_39 : i32
      %scan3A_41 = arith.constant 4 : i32
      scf.for %scan3A_74 = %scan3A_38 to %scan3A_40 step %scan3A_41  : i32 {
        %get3A = arith.index_cast %scan3A_74 : i32 to index
        %get3A_75 = arith.constant 0 : index
        %get3A_76 = tpu.vector_load %arg7[%get3A, %get3A_75] {strides = array<i32>} : memref<800x64xf32, #tpu.memory_space<vmem>>, vector<1x16xf32>,
        %get3A_77 = vector.shape_cast %get3A_76 : vector<1x16xf32> to vector<16xf32>
        %mul3A_78 = arith.constant 8.000000e+00 : f32
        %mul3A_79 = vector.broadcast %mul3A_78 : f32 to vector<16xf32>
        %mul3A_80 = arith.mulf %get3A_77, %mul3A_79 : vector<16xf32>
        %swap3A = arith.index_cast %scan3A_74 : i32 to index
        %swap3A_81 = arith.constant 0 : index
        %swap3A_82 = tpu.vector_load %arg7[%swap3A, %swap3A_81] {strides = array<i32>} : memref<800x64xf32, #tpu.memory_space<vmem>>, vector<1x16xf32>,
        %swap3A_83 = vector.shape_cast %swap3A_82 : vector<1x16xf32> to vector<16xf32>
        %swap3A_84 = vector.shape_cast %mul3A_80 : vector<16xf32> to vector<1x16xf32>
        tpu.vector_store %arg7[%swap3A, %swap3A_81], %swap3A_84 {strides = array<i32>} : memref<800x64xf32, #tpu.memory_space<vmem>>, vector<1x16xf32>,
        %get3A_85 = arith.index_cast %scan3A_74 : i32 to index
        %get3A_86 = arith.constant 16 : index
        %get3A_87 = tpu.vector_load %arg7[%get3A_85, %get3A_86] {strides = array<i32>} : memref<800x64xf32, #tpu.memory_space<vmem>>, vector<1x16xf32>,
        %get3A_88 = vector.shape_cast %get3A_87 : vector<1x16xf32> to vector<16xf32>
        %mul3A_89 = arith.constant 8.000000e+00 : f32
        %mul3A_90 = vector.broadcast %mul3A_89 : f32 to vector<16xf32>
        %mul3A_91 = arith.mulf %get3A_88, %mul3A_90 : vector<16xf32>
        %swap3A_92 = arith.index_cast %scan3A_74 : i32 to index
        %swap3A_93 = arith.constant 16 : index
        %swap3A_94 = tpu.vector_load %arg7[%swap3A_92, %swap3A_93] {strides = array<i32>} : memref<800x64xf32, #tpu.memory_space<vmem>>, vector<1x16xf32>,
        %swap3A_95 = vector.shape_cast %swap3A_94 : vector<1x16xf32> to vector<16xf32>
        %swap3A_96 = vector.shape_cast %mul3A_91 : vector<16xf32> to vector<1x16xf32>
        tpu.vector_store %arg7[%swap3A_92, %swap3A_93], %swap3A_96 {strides = array<i32>} : memref<800x64xf32, #tpu.memory_space<vmem>>, vector<1x16xf32>,
        %get3A_97 = arith.index_cast %scan3A_74 : i32 to index
        %get3A_98 = arith.constant 32 : index
        %get3A_99 = tpu.vector_load %arg7[%get3A_97, %get3A_98] {strides = array<i32>} : memref<800x64xf32, #tpu.memory_space<vmem>>, vector<1x16xf32>,
        %get3A_100 = vector.shape_cast %get3A_99 : vector<1x16xf32> to vector<16xf32>
        %mul3A_101 = arith.constant 8.000000e+00 : f32
        %mul3A_102 = vector.broadcast %mul3A_101 : f32 to vector<16xf32>
        %mul3A_103 = arith.mulf %get3A_100, %mul3A_102 : vector<16xf32>
        %swap3A_104 = arith.index_cast %scan3A_74 : i32 to index
        %swap3A_105 = arith.constant 32 : index
        %swap3A_106 = tpu.vector_load %arg7[%swap3A_104, %swap3A_105] {strides = array<i32>} : memref<800x64xf32, #tpu.memory_space<vmem>>, vector<1x16xf32>,
        %swap3A_107 = vector.shape_cast %swap3A_106 : vector<1x16xf32> to vector<16xf32>
        %swap3A_108 = vector.shape_cast %mul3A_103 : vector<16xf32> to vector<1x16xf32>
        tpu.vector_store %arg7[%swap3A_104, %swap3A_105], %swap3A_108 {strides = array<i32>} : memref<800x64xf32, #tpu.memory_space<vmem>>, vector<1x16xf32>,
        %get3A_109 = arith.index_cast %scan3A_74 : i32 to index
        %get3A_110 = arith.constant 48 : index
        %get3A_111 = tpu.vector_load %arg7[%get3A_109, %get3A_110] {strides = array<i32>} : memref<800x64xf32, #tpu.memory_space<vmem>>, vector<1x16xf32>,
        %get3A_112 = vector.shape_cast %get3A_111 : vector<1x16xf32> to vector<16xf32>
        %mul3A_113 = arith.constant 8.000000e+00 : f32
        %mul3A_114 = vector.broadcast %mul3A_113 : f32 to vector<16xf32>
        %mul3A_115 = arith.mulf %get3A_112, %mul3A_114 : vector<16xf32>
        %swap3A_116 = arith.index_cast %scan3A_74 : i32 to index
        %swap3A_117 = arith.constant 48 : index
        %swap3A_118 = tpu.vector_load %arg7[%swap3A_116, %swap3A_117] {strides = array<i32>} : memref<800x64xf32, #tpu.memory_space<vmem>>, vector<1x16xf32>,
        %swap3A_119 = vector.shape_cast %swap3A_118 : vector<1x16xf32> to vector<16xf32>
        %swap3A_120 = vector.shape_cast %mul3A_115 : vector<16xf32> to vector<1x16xf32>
        tpu.vector_store %arg7[%swap3A_116, %swap3A_117], %swap3A_120 {strides = array<i32>} : memref<800x64xf32, #tpu.memory_space<vmem>>, vector<1x16xf32>,
        %scan3A_121 = arith.constant 1 : i32
        %scan3A_122 = arith.addi %scan3A_74, %scan3A_121 : i32
        %get3A_123 = arith.index_cast %scan3A_122 : i32 to index
        %get3A_124 = arith.constant 0 : index
        %get3A_125 = tpu.vector_load %arg7[%get3A_123, %get3A_124] {strides = array<i32>} : memref<800x64xf32, #tpu.memory_space<vmem>>, vector<1x16xf32>,
        %get3A_126 = vector.shape_cast %get3A_125 : vector<1x16xf32> to vector<16xf32>
        %mul3A_127 = arith.constant 8.000000e+00 : f32
        %mul3A_128 = vector.broadcast %mul3A_127 : f32 to vector<16xf32>
        %mul3A_129 = arith.mulf %get3A_126, %mul3A_128 : vector<16xf32>
        %swap3A_130 = arith.index_cast %scan3A_122 : i32 to index
        %swap3A_131 = arith.constant 0 : index
        %swap3A_132 = tpu.vector_load %arg7[%swap3A_130, %swap3A_131] {strides = array<i32>} : memref<800x64xf32, #tpu.memory_space<vmem>>, vector<1x16xf32>,
        %swap3A_133 = vector.shape_cast %swap3A_132 : vector<1x16xf32> to vector<16xf32>
        %swap3A_134 = vector.shape_cast %mul3A_129 : vector<16xf32> to vector<1x16xf32>
        tpu.vector_store %arg7[%swap3A_130, %swap3A_131], %swap3A_134 {strides = array<i32>} : memref<800x64xf32, #tpu.memory_space<vmem>>, vector<1x16xf32>,
        %get3A_135 = arith.index_cast %scan3A_122 : i32 to index
        %get3A_136 = arith.constant 16 : index
        %get3A_137 = tpu.vector_load %arg7[%get3A_135, %get3A_136] {strides = array<i32>} : memref<800x64xf32, #tpu.memory_space<vmem>>, vector<1x16xf32>,
        %get3A_138 = vector.shape_cast %get3A_137 : vector<1x16xf32> to vector<16xf32>
        %mul3A_139 = arith.constant 8.000000e+00 : f32
        %mul3A_140 = vector.broadcast %mul3A_139 : f32 to vector<16xf32>
        %mul3A_141 = arith.mulf %get3A_138, %mul3A_140 : vector<16xf32>
        %swap3A_142 = arith.index_cast %scan3A_122 : i32 to index
        %swap3A_143 = arith.constant 16 : index
        %swap3A_144 = tpu.vector_load %arg7[%swap3A_142, %swap3A_143] {strides = array<i32>} : memref<800x64xf32, #tpu.memory_space<vmem>>, vector<1x16xf32>,
        %swap3A_145 = vector.shape_cast %swap3A_144 : vector<1x16xf32> to vector<16xf32>
        %swap3A_146 = vector.shape_cast %mul3A_141 : vector<16xf32> to vector<1x16xf32>
        tpu.vector_store %arg7[%swap3A_142, %swap3A_143], %swap3A_146 {strides = array<i32>} : memref<800x64xf32, #tpu.memory_space<vmem>>, vector<1x16xf32>,
        %get3A_147 = arith.index_cast %scan3A_122 : i32 to index
        %get3A_148 = arith.constant 32 : index
        %get3A_149 = tpu.vector_load %arg7[%get3A_147, %get3A_148] {strides = array<i32>} : memref<800x64xf32, #tpu.memory_space<vmem>>, vector<1x16xf32>,
        %get3A_150 = vector.shape_cast %get3A_149 : vector<1x16xf32> to vector<16xf32>
        %mul3A_151 = arith.constant 8.000000e+00 : f32
        %mul3A_152 = vector.broadcast %mul3A_151 : f32 to vector<16xf32>
        %mul3A_153 = arith.mulf %get3A_150, %mul3A_152 : vector<16xf32>
        %swap3A_154 = arith.index_cast %scan3A_122 : i32 to index
        %swap3A_155 = arith.constant 32 : index
        %swap3A_156 = tpu.vector_load %arg7[%swap3A_154, %swap3A_155] {strides = array<i32>} : memref<800x64xf32, #tpu.memory_space<vmem>>, vector<1x16xf32>,
        %swap3A_157 = vector.shape_cast %swap3A_156 : vector<1x16xf32> to vector<16xf32>
        %swap3A_158 = vector.shape_cast %mul3A_153 : vector<16xf32> to vector<1x16xf32>
        tpu.vector_store %arg7[%swap3A_154, %swap3A_155], %swap3A_158 {strides = array<i32>} : memref<800x64xf32, #tpu.memory_space<vmem>>, vector<1x16xf32>,
        %get3A_159 = arith.index_cast %scan3A_122 : i32 to index
        %get3A_160 = arith.constant 48 : index
        %get3A_161 = tpu.vector_load %arg7[%get3A_159, %get3A_160] {strides = array<i32>} : memref<800x64xf32, #tpu.memory_space<vmem>>, vector<1x16xf32>,
        %get3A_162 = vector.shape_cast %get3A_161 : vector<1x16xf32> to vector<16xf32>
        %mul3A_163 = arith.constant 8.000000e+00 : f32
        %mul3A_164 = vector.broadcast %mul3A_163 : f32 to vector<16xf32>
        %mul3A_165 = arith.mulf %get3A_162, %mul3A_164 : vector<16xf32>
        %swap3A_166 = arith.index_cast %scan3A_122 : i32 to index
        %swap3A_167 = arith.constant 48 : index
        %swap3A_168 = tpu.vector_load %arg7[%swap3A_166, %swap3A_167] {strides = array<i32>} : memref<800x64xf32, #tpu.memory_space<vmem>>, vector<1x16xf32>,
        %swap3A_169 = vector.shape_cast %swap3A_168 : vector<1x16xf32> to vector<16xf32>
        %swap3A_170 = vector.shape_cast %mul3A_165 : vector<16xf32> to vector<1x16xf32>
        tpu.vector_store %arg7[%swap3A_166, %swap3A_167], %swap3A_170 {strides = array<i32>} : memref<800x64xf32, #tpu.memory_space<vmem>>, vector<1x16xf32>,
        %scan3A_171 = arith.constant 2 : i32
        %scan3A_172 = arith.addi %scan3A_74, %scan3A_171 : i32
        %get3A_173 = arith.index_cast %scan3A_172 : i32 to index
        %get3A_174 = arith.constant 0 : index
        %get3A_175 = tpu.vector_load %arg7[%get3A_173, %get3A_174] {strides = array<i32>} : memref<800x64xf32, #tpu.memory_space<vmem>>, vector<1x16xf32>,
        %get3A_176 = vector.shape_cast %get3A_175 : vector<1x16xf32> to vector<16xf32>
        %mul3A_177 = arith.constant 8.000000e+00 : f32
        %mul3A_178 = vector.broadcast %mul3A_177 : f32 to vector<16xf32>
        %mul3A_179 = arith.mulf %get3A_176, %mul3A_178 : vector<16xf32>
        %swap3A_180 = arith.index_cast %scan3A_172 : i32 to index
        %swap3A_181 = arith.constant 0 : index
        %swap3A_182 = tpu.vector_load %arg7[%swap3A_180, %swap3A_181] {strides = array<i32>} : memref<800x64xf32, #tpu.memory_space<vmem>>, vector<1x16xf32>,
        %swap3A_183 = vector.shape_cast %swap3A_182 : vector<1x16xf32> to vector<16xf32>
        %swap3A_184 = vector.shape_cast %mul3A_179 : vector<16xf32> to vector<1x16xf32>
        tpu.vector_store %arg7[%swap3A_180, %swap3A_181], %swap3A_184 {strides = array<i32>} : memref<800x64xf32, #tpu.memory_space<vmem>>, vector<1x16xf32>,
        %get3A_185 = arith.index_cast %scan3A_172 : i32 to index
        %get3A_186 = arith.constant 16 : index
        %get3A_187 = tpu.vector_load %arg7[%get3A_185, %get3A_186] {strides = array<i32>} : memref<800x64xf32, #tpu.memory_space<vmem>>, vector<1x16xf32>,
        %get3A_188 = vector.shape_cast %get3A_187 : vector<1x16xf32> to vector<16xf32>
        %mul3A_189 = arith.constant 8.000000e+00 : f32
        %mul3A_190 = vector.broadcast %mul3A_189 : f32 to vector<16xf32>
        %mul3A_191 = arith.mulf %get3A_188, %mul3A_190 : vector<16xf32>
        %swap3A_192 = arith.index_cast %scan3A_172 : i32 to index
        %swap3A_193 = arith.constant 16 : index
        %swap3A_194 = tpu.vector_load %arg7[%swap3A_192, %swap3A_193] {strides = array<i32>} : memref<800x64xf32, #tpu.memory_space<vmem>>, vector<1x16xf32>,
        %swap3A_195 = vector.shape_cast %swap3A_194 : vector<1x16xf32> to vector<16xf32>
        %swap3A_196 = vector.shape_cast %mul3A_191 : vector<16xf32> to vector<1x16xf32>
        tpu.vector_store %arg7[%swap3A_192, %swap3A_193], %swap3A_196 {strides = array<i32>} : memref<800x64xf32, #tpu.memory_space<vmem>>, vector<1x16xf32>,
        %get3A_197 = arith.index_cast %scan3A_172 : i32 to index
        %get3A_198 = arith.constant 32 : index
        %get3A_199 = tpu.vector_load %arg7[%get3A_197, %get3A_198] {strides = array<i32>} : memref<800x64xf32, #tpu.memory_space<vmem>>, vector<1x16xf32>,
        %get3A_200 = vector.shape_cast %get3A_199 : vector<1x16xf32> to vector<16xf32>
        %mul3A_201 = arith.constant 8.000000e+00 : f32
        %mul3A_202 = vector.broadcast %mul3A_201 : f32 to vector<16xf32>
        %mul3A_203 = arith.mulf %get3A_200, %mul3A_202 : vector<16xf32>
        %swap3A_204 = arith.index_cast %scan3A_172 : i32 to index
        %swap3A_205 = arith.constant 32 : index
        %swap3A_206 = tpu.vector_load %arg7[%swap3A_204, %swap3A_205] {strides = array<i32>} : memref<800x64xf32, #tpu.memory_space<vmem>>, vector<1x16xf32>,
        %swap3A_207 = vector.shape_cast %swap3A_206 : vector<1x16xf32> to vector<16xf32>
        %swap3A_208 = vector.shape_cast %mul3A_203 : vector<16xf32> to vector<1x16xf32>
        tpu.vector_store %arg7[%swap3A_204, %swap3A_205], %swap3A_208 {strides = array<i32>} : memref<800x64xf32, #tpu.memory_space<vmem>>, vector<1x16xf32>,
        %get3A_209 = arith.index_cast %scan3A_172 : i32 to index
        %get3A_210 = arith.constant 48 : index
        %get3A_211 = tpu.vector_load %arg7[%get3A_209, %get3A_210] {strides = array<i32>} : memref<800x64xf32, #tpu.memory_space<vmem>>, vector<1x16xf32>,
        %get3A_212 = vector.shape_cast %get3A_211 : vector<1x16xf32> to vector<16xf32>
        %mul3A_213 = arith.constant 8.000000e+00 : f32
        %mul3A_214 = vector.broadcast %mul3A_213 : f32 to vector<16xf32>
        %mul3A_215 = arith.mulf %get3A_212, %mul3A_214 : vector<16xf32>
        %swap3A_216 = arith.index_cast %scan3A_172 : i32 to index
        %swap3A_217 = arith.constant 48 : index
        %swap3A_218 = tpu.vector_load %arg7[%swap3A_216, %swap3A_217] {strides = array<i32>} : memref<800x64xf32, #tpu.memory_space<vmem>>, vector<1x16xf32>,
        %swap3A_219 = vector.shape_cast %swap3A_218 : vector<1x16xf32> to vector<16xf32>
        %swap3A_220 = vector.shape_cast %mul3A_215 : vector<16xf32> to vector<1x16xf32>
        tpu.vector_store %arg7[%swap3A_216, %swap3A_217], %swap3A_220 {strides = array<i32>} : memref<800x64xf32, #tpu.memory_space<vmem>>, vector<1x16xf32>,
        %scan3A_221 = arith.constant 3 : i32
        %scan3A_222 = arith.addi %scan3A_74, %scan3A_221 : i32
        %get3A_223 = arith.index_cast %scan3A_222 : i32 to index
        %get3A_224 = arith.constant 0 : index
        %get3A_225 = tpu.vector_load %arg7[%get3A_223, %get3A_224] {strides = array<i32>} : memref<800x64xf32, #tpu.memory_space<vmem>>, vector<1x16xf32>,
        %get3A_226 = vector.shape_cast %get3A_225 : vector<1x16xf32> to vector<16xf32>
        %mul3A_227 = arith.constant 8.000000e+00 : f32
        %mul3A_228 = vector.broadcast %mul3A_227 : f32 to vector<16xf32>
        %mul3A_229 = arith.mulf %get3A_226, %mul3A_228 : vector<16xf32>
        %swap3A_230 = arith.index_cast %scan3A_222 : i32 to index
        %swap3A_231 = arith.constant 0 : index
        %swap3A_232 = tpu.vector_load %arg7[%swap3A_230, %swap3A_231] {strides = array<i32>} : memref<800x64xf32, #tpu.memory_space<vmem>>, vector<1x16xf32>,
        %swap3A_233 = vector.shape_cast %swap3A_232 : vector<1x16xf32> to vector<16xf32>
        %swap3A_234 = vector.shape_cast %mul3A_229 : vector<16xf32> to vector<1x16xf32>
        tpu.vector_store %arg7[%swap3A_230, %swap3A_231], %swap3A_234 {strides = array<i32>} : memref<800x64xf32, #tpu.memory_space<vmem>>, vector<1x16xf32>,
        %get3A_235 = arith.index_cast %scan3A_222 : i32 to index
        %get3A_236 = arith.constant 16 : index
        %get3A_237 = tpu.vector_load %arg7[%get3A_235, %get3A_236] {strides = array<i32>} : memref<800x64xf32, #tpu.memory_space<vmem>>, vector<1x16xf32>,
        %get3A_238 = vector.shape_cast %get3A_237 : vector<1x16xf32> to vector<16xf32>
        %mul3A_239 = arith.constant 8.000000e+00 : f32
        %mul3A_240 = vector.broadcast %mul3A_239 : f32 to vector<16xf32>
        %mul3A_241 = arith.mulf %get3A_238, %mul3A_240 : vector<16xf32>
        %swap3A_242 = arith.index_cast %scan3A_222 : i32 to index
        %swap3A_243 = arith.constant 16 : index
        %swap3A_244 = tpu.vector_load %arg7[%swap3A_242, %swap3A_243] {strides = array<i32>} : memref<800x64xf32, #tpu.memory_space<vmem>>, vector<1x16xf32>,
        %swap3A_245 = vector.shape_cast %swap3A_244 : vector<1x16xf32> to vector<16xf32>
        %swap3A_246 = vector.shape_cast %mul3A_241 : vector<16xf32> to vector<1x16xf32>
        tpu.vector_store %arg7[%swap3A_242, %swap3A_243], %swap3A_246 {strides = array<i32>} : memref<800x64xf32, #tpu.memory_space<vmem>>, vector<1x16xf32>,
        %get3A_247 = arith.index_cast %scan3A_222 : i32 to index
        %get3A_248 = arith.constant 32 : index
        %get3A_249 = tpu.vector_load %arg7[%get3A_247, %get3A_248] {strides = array<i32>} : memref<800x64xf32, #tpu.memory_space<vmem>>, vector<1x16xf32>,
        %get3A_250 = vector.shape_cast %get3A_249 : vector<1x16xf32> to vector<16xf32>
        %mul3A_251 = arith.constant 8.000000e+00 : f32
        %mul3A_252 = vector.broadcast %mul3A_251 : f32 to vector<16xf32>
        %mul3A_253 = arith.mulf %get3A_250, %mul3A_252 : vector<16xf32>
        %swap3A_254 = arith.index_cast %scan3A_222 : i32 to index
        %swap3A_255 = arith.constant 32 : index
        %swap3A_256 = tpu.vector_load %arg7[%swap3A_254, %swap3A_255] {strides = array<i32>} : memref<800x64xf32, #tpu.memory_space<vmem>>, vector<1x16xf32>,
        %swap3A_257 = vector.shape_cast %swap3A_256 : vector<1x16xf32> to vector<16xf32>
        %swap3A_258 = vector.shape_cast %mul3A_253 : vector<16xf32> to vector<1x16xf32>
        tpu.vector_store %arg7[%swap3A_254, %swap3A_255], %swap3A_258 {strides = array<i32>} : memref<800x64xf32, #tpu.memory_space<vmem>>, vector<1x16xf32>,
        %get3A_259 = arith.index_cast %scan3A_222 : i32 to index
        %get3A_260 = arith.constant 48 : index
        %get3A_261 = tpu.vector_load %arg7[%get3A_259, %get3A_260] {strides = array<i32>} : memref<800x64xf32, #tpu.memory_space<vmem>>, vector<1x16xf32>,
        %get3A_262 = vector.shape_cast %get3A_261 : vector<1x16xf32> to vector<16xf32>
        %mul3A_263 = arith.constant 8.000000e+00 : f32
        %mul3A_264 = vector.broadcast %mul3A_263 : f32 to vector<16xf32>
        %mul3A_265 = arith.mulf %get3A_262, %mul3A_264 : vector<16xf32>
        %swap3A_266 = arith.index_cast %scan3A_222 : i32 to index
        %swap3A_267 = arith.constant 48 : index
        %swap3A_268 = tpu.vector_load %arg7[%swap3A_266, %swap3A_267] {strides = array<i32>} : memref<800x64xf32, #tpu.memory_space<vmem>>, vector<1x16xf32>,
        %swap3A_269 = vector.shape_cast %swap3A_268 : vector<1x16xf32> to vector<16xf32>
        %swap3A_270 = vector.shape_cast %mul3A_265 : vector<16xf32> to vector<1x16xf32>
        tpu.vector_store %arg7[%swap3A_266, %swap3A_267], %swap3A_270 {strides = array<i32>} : memref<800x64xf32, #tpu.memory_space<vmem>>, vector<1x16xf32>,
      }
      %scan3A_42 = arith.constant 800 : i32
      %mul3A_43 = arith.constant 800 : i32
      %mul3A_44 = arith.muli %add3A_23, %mul3A_43 : i32
      %add3A_45 = arith.addi %mul3A_2, %mul3A_44 : i32
      %dma_start3A_46 = arith.constant 0 : i32
      %dma_start3A_47 = tpu.memref_slice %arg4[%add3A_45, %dma_start3A_46] : memref<1638400x64xf32, #tpu.memory_space<hbm>> -> memref<800x64xf32, #tpu.memory_space<hbm>>
      %dma_start3A_48 = arith.constant 0 : i32
      %dma_start3A_49 = tpu.memref_slice %arg4[%add3A_45, %dma_start3A_48] : memref<1638400x64xf32, #tpu.memory_space<hbm>> -> memref<800x64xf32, #tpu.memory_space<hbm>>
      tpu.enqueue_dma source(%arg7 : memref<800x64xf32, #tpu.memory_space<vmem>>) target(%dma_start3A_49 : memref<800x64xf32, #tpu.memory_space<hbm>>) target_semaphore(%arg11 : memref<!tpu.dma_semaphore, #tpu.memory_space<semaphore_mem>>)
      %mul3A_50 = arith.constant 2 : i32
      %mul3A_51 = arith.muli %mul3A_50, %scan3A_19 : i32
      %add3A_52 = arith.constant 1 : i32
      %add3A_53 = arith.addi %mul3A_51, %add3A_52 : i32
      %dma_wait3A_54 = arith.constant 0 : i32
      %dma_wait3A_55 = arith.constant 0 : i32
      %dma_wait3A_56 = tpu.memref_slice %arg2[%dma_wait3A_54, %dma_wait3A_55] : memref<1000000x64xf32, #tpu.memory_space<hbm>> -> memref<1000000x64xf32, #tpu.memory_space<hbm>>
      tpu.wait_indirect_dma semaphore(%arg10 : memref<!tpu.dma_semaphore, #tpu.memory_space<semaphore_mem>>) src(%dma_wait3A_56 : memref<1000000x64xf32, #tpu.memory_space<hbm>>) dst(%arg8 : memref<800x64xf32, #tpu.memory_space<vmem>>)
      %lt3A = arith.constant 31 : i32
      %lt3A_57 = arith.cmpi slt, %scan3A_19, %lt3A : i32
      %convert_element_type3A_58 = arith.extui %lt3A_57 : i1 to i32
      %cond3A_59 = arith.constant 0 : i32
      %cond3A_60 = arith.cmpi ne, %convert_element_type3A_58, %cond3A_59 : i32
      scf.if %cond3A_60 {
        %dma_wait3A_74 = arith.constant 0 : i32
        %dma_wait3A_75 = tpu.memref_slice %arg4[%mul3A_2, %dma_wait3A_74] : memref<1638400x64xf32, #tpu.memory_space<hbm>> -> memref<800x64xf32, #tpu.memory_space<hbm>>
        %dma_wait3A_76 = arith.constant 0 : i32
        %dma_wait3A_77 = tpu.memref_slice %arg4[%mul3A_2, %dma_wait3A_76] : memref<1638400x64xf32, #tpu.memory_space<hbm>> -> memref<800x64xf32, #tpu.memory_space<hbm>>
        tpu.wait_dma2 semaphore(%arg11 : memref<!tpu.dma_semaphore, #tpu.memory_space<semaphore_mem>>) src(%arg7 : memref<800x64xf32, #tpu.memory_space<vmem>>) dst(%dma_wait3A_77 : memref<800x64xf32, #tpu.memory_space<hbm>>)
        %add3A_78 = arith.constant 1 : i32
        %add3A_79 = arith.addi %add3A_53, %add3A_78 : i32
        %mul3A_80 = arith.constant 800 : i32
        %mul3A_81 = arith.muli %add3A_79, %mul3A_80 : i32
        %add3A_82 = arith.addi %mul3A_2, %mul3A_81 : i32
        "tpu.region"() ({
          %run_scoped3A = tpu.sem_alloc : memref<!tpu.dma_semaphore, #tpu.memory_space<semaphore_mem>>
          %dma_start3A_86 = tpu.memref_slice %arg3[%add3A_82] : memref<1638400xi32, #tpu.memory_space<hbm>> -> memref<800xi32, #tpu.memory_space<hbm>>
          %dma_start3A_87 = tpu.memref_slice %arg3[%add3A_82] : memref<1638400xi32, #tpu.memory_space<hbm>> -> memref<800xi32, #tpu.memory_space<hbm>>
          tpu.enqueue_dma source(%dma_start3A_87 : memref<800xi32, #tpu.memory_space<hbm>>) target(%arg5 : memref<800xi32, #tpu.memory_space<vmem>>) target_semaphore(%run_scoped3A : memref<!tpu.dma_semaphore, #tpu.memory_space<semaphore_mem>>)
          %dma_wait3A_88 = tpu.memref_slice %arg3[%add3A_82] : memref<1638400xi32, #tpu.memory_space<hbm>> -> memref<800xi32, #tpu.memory_space<hbm>>
          %dma_wait3A_89 = tpu.memref_slice %arg3[%add3A_82] : memref<1638400xi32, #tpu.memory_space<hbm>> -> memref<800xi32, #tpu.memory_space<hbm>>
          tpu.wait_dma2 semaphore(%run_scoped3A : memref<!tpu.dma_semaphore, #tpu.memory_space<semaphore_mem>>) src(%dma_wait3A_89 : memref<800xi32, #tpu.memory_space<hbm>>) dst(%arg5 : memref<800xi32, #tpu.memory_space<vmem>>)
          tpu.yield
        }) : () -> ()
        %dma_start3A_83 = arith.constant 0 : i32
        %dma_start3A_84 = arith.constant 0 : i32
        %dma_start3A_85 = tpu.memref_slice %arg2[%dma_start3A_83, %dma_start3A_84] : memref<1000000x64xf32, #tpu.memory_space<hbm>> -> memref<1000000x64xf32, #tpu.memory_space<hbm>>
        tpu.enqueue_indirect_dma source(%dma_start3A_85 : memref<1000000x64xf32, #tpu.memory_space<hbm>>) target(%arg7 : memref<800x64xf32, #tpu.memory_space<vmem>>) offsets(%arg5 : memref<800xi32, #tpu.memory_space<vmem>>) semaphore(%arg9 : memref<!tpu.dma_semaphore, #tpu.memory_space<semaphore_mem>>)
      } else {
      }
      %scan3A_61 = arith.constant 0 : i32
      %scan3A_62 = arith.constant 0 : i32
      %scan3A_63 = arith.constant 800 : i32
      %scan3A_64 = arith.addi %scan3A_62, %scan3A_63 : i32
      %scan3A_65 = arith.constant 4 : i32
      scf.for %scan3A_74 = %scan3A_62 to %scan3A_64 step %scan3A_65  : i32 {
        %get3A = arith.index_cast %scan3A_74 : i32 to index
        %get3A_75 = arith.constant 0 : index
        %get3A_76 = tpu.vector_load %arg8[%get3A, %get3A_75] {strides = array<i32>} : memref<800x64xf32, #tpu.memory_space<vmem>>, vector<1x16xf32>,
        %get3A_77 = vector.shape_cast %get3A_76 : vector<1x16xf32> to vector<16xf32>
        %mul3A_78 = arith.constant 8.000000e+00 : f32
        %mul3A_79 = vector.broadcast %mul3A_78 : f32 to vector<16xf32>
        %mul3A_80 = arith.mulf %get3A_77, %mul3A_79 : vector<16xf32>
        %swap3A = arith.index_cast %scan3A_74 : i32 to index
        %swap3A_81 = arith.constant 0 : index
        %swap3A_82 = tpu.vector_load %arg8[%swap3A, %swap3A_81] {strides = array<i32>} : memref<800x64xf32, #tpu.memory_space<vmem>>, vector<1x16xf32>,
        %swap3A_83 = vector.shape_cast %swap3A_82 : vector<1x16xf32> to vector<16xf32>
        %swap3A_84 = vector.shape_cast %mul3A_80 : vector<16xf32> to vector<1x16xf32>
        tpu.vector_store %arg8[%swap3A, %swap3A_81], %swap3A_84 {strides = array<i32>} : memref<800x64xf32, #tpu.memory_space<vmem>>, vector<1x16xf32>,
        %get3A_85 = arith.index_cast %scan3A_74 : i32 to index
        %get3A_86 = arith.constant 16 : index
        %get3A_87 = tpu.vector_load %arg8[%get3A_85, %get3A_86] {strides = array<i32>} : memref<800x64xf32, #tpu.memory_space<vmem>>, vector<1x16xf32>,
        %get3A_88 = vector.shape_cast %get3A_87 : vector<1x16xf32> to vector<16xf32>
        %mul3A_89 = arith.constant 8.000000e+00 : f32
        %mul3A_90 = vector.broadcast %mul3A_89 : f32 to vector<16xf32>
        %mul3A_91 = arith.mulf %get3A_88, %mul3A_90 : vector<16xf32>
        %swap3A_92 = arith.index_cast %scan3A_74 : i32 to index
        %swap3A_93 = arith.constant 16 : index
        %swap3A_94 = tpu.vector_load %arg8[%swap3A_92, %swap3A_93] {strides = array<i32>} : memref<800x64xf32, #tpu.memory_space<vmem>>, vector<1x16xf32>,
        %swap3A_95 = vector.shape_cast %swap3A_94 : vector<1x16xf32> to vector<16xf32>
        %swap3A_96 = vector.shape_cast %mul3A_91 : vector<16xf32> to vector<1x16xf32>
        tpu.vector_store %arg8[%swap3A_92, %swap3A_93], %swap3A_96 {strides = array<i32>} : memref<800x64xf32, #tpu.memory_space<vmem>>, vector<1x16xf32>,
        %get3A_97 = arith.index_cast %scan3A_74 : i32 to index
        %get3A_98 = arith.constant 32 : index
        %get3A_99 = tpu.vector_load %arg8[%get3A_97, %get3A_98] {strides = array<i32>} : memref<800x64xf32, #tpu.memory_space<vmem>>, vector<1x16xf32>,
        %get3A_100 = vector.shape_cast %get3A_99 : vector<1x16xf32> to vector<16xf32>
        %mul3A_101 = arith.constant 8.000000e+00 : f32
        %mul3A_102 = vector.broadcast %mul3A_101 : f32 to vector<16xf32>
        %mul3A_103 = arith.mulf %get3A_100, %mul3A_102 : vector<16xf32>
        %swap3A_104 = arith.index_cast %scan3A_74 : i32 to index
        %swap3A_105 = arith.constant 32 : index
        %swap3A_106 = tpu.vector_load %arg8[%swap3A_104, %swap3A_105] {strides = array<i32>} : memref<800x64xf32, #tpu.memory_space<vmem>>, vector<1x16xf32>,
        %swap3A_107 = vector.shape_cast %swap3A_106 : vector<1x16xf32> to vector<16xf32>
        %swap3A_108 = vector.shape_cast %mul3A_103 : vector<16xf32> to vector<1x16xf32>
        tpu.vector_store %arg8[%swap3A_104, %swap3A_105], %swap3A_108 {strides = array<i32>} : memref<800x64xf32, #tpu.memory_space<vmem>>, vector<1x16xf32>,
        %get3A_109 = arith.index_cast %scan3A_74 : i32 to index
        %get3A_110 = arith.constant 48 : index
        %get3A_111 = tpu.vector_load %arg8[%get3A_109, %get3A_110] {strides = array<i32>} : memref<800x64xf32, #tpu.memory_space<vmem>>, vector<1x16xf32>,
        %get3A_112 = vector.shape_cast %get3A_111 : vector<1x16xf32> to vector<16xf32>
        %mul3A_113 = arith.constant 8.000000e+00 : f32
        %mul3A_114 = vector.broadcast %mul3A_113 : f32 to vector<16xf32>
        %mul3A_115 = arith.mulf %get3A_112, %mul3A_114 : vector<16xf32>
        %swap3A_116 = arith.index_cast %scan3A_74 : i32 to index
        %swap3A_117 = arith.constant 48 : index
        %swap3A_118 = tpu.vector_load %arg8[%swap3A_116, %swap3A_117] {strides = array<i32>} : memref<800x64xf32, #tpu.memory_space<vmem>>, vector<1x16xf32>,
        %swap3A_119 = vector.shape_cast %swap3A_118 : vector<1x16xf32> to vector<16xf32>
        %swap3A_120 = vector.shape_cast %mul3A_115 : vector<16xf32> to vector<1x16xf32>
        tpu.vector_store %arg8[%swap3A_116, %swap3A_117], %swap3A_120 {strides = array<i32>} : memref<800x64xf32, #tpu.memory_space<vmem>>, vector<1x16xf32>,
        %scan3A_121 = arith.constant 1 : i32
        %scan3A_122 = arith.addi %scan3A_74, %scan3A_121 : i32
        %get3A_123 = arith.index_cast %scan3A_122 : i32 to index
        %get3A_124 = arith.constant 0 : index
        %get3A_125 = tpu.vector_load %arg8[%get3A_123, %get3A_124] {strides = array<i32>} : memref<800x64xf32, #tpu.memory_space<vmem>>, vector<1x16xf32>,
        %get3A_126 = vector.shape_cast %get3A_125 : vector<1x16xf32> to vector<16xf32>
        %mul3A_127 = arith.constant 8.000000e+00 : f32
        %mul3A_128 = vector.broadcast %mul3A_127 : f32 to vector<16xf32>
        %mul3A_129 = arith.mulf %get3A_126, %mul3A_128 : vector<16xf32>
        %swap3A_130 = arith.index_cast %scan3A_122 : i32 to index
        %swap3A_131 = arith.constant 0 : index
        %swap3A_132 = tpu.vector_load %arg8[%swap3A_130, %swap3A_131] {strides = array<i32>} : memref<800x64xf32, #tpu.memory_space<vmem>>, vector<1x16xf32>,
        %swap3A_133 = vector.shape_cast %swap3A_132 : vector<1x16xf32> to vector<16xf32>
        %swap3A_134 = vector.shape_cast %mul3A_129 : vector<16xf32> to vector<1x16xf32>
        tpu.vector_store %arg8[%swap3A_130, %swap3A_131], %swap3A_134 {strides = array<i32>} : memref<800x64xf32, #tpu.memory_space<vmem>>, vector<1x16xf32>,
        %get3A_135 = arith.index_cast %scan3A_122 : i32 to index
        %get3A_136 = arith.constant 16 : index
        %get3A_137 = tpu.vector_load %arg8[%get3A_135, %get3A_136] {strides = array<i32>} : memref<800x64xf32, #tpu.memory_space<vmem>>, vector<1x16xf32>,
        %get3A_138 = vector.shape_cast %get3A_137 : vector<1x16xf32> to vector<16xf32>
        %mul3A_139 = arith.constant 8.000000e+00 : f32
        %mul3A_140 = vector.broadcast %mul3A_139 : f32 to vector<16xf32>
        %mul3A_141 = arith.mulf %get3A_138, %mul3A_140 : vector<16xf32>
        %swap3A_142 = arith.index_cast %scan3A_122 : i32 to index
        %swap3A_143 = arith.constant 16 : index
        %swap3A_144 = tpu.vector_load %arg8[%swap3A_142, %swap3A_143] {strides = array<i32>} : memref<800x64xf32, #tpu.memory_space<vmem>>, vector<1x16xf32>,
        %swap3A_145 = vector.shape_cast %swap3A_144 : vector<1x16xf32> to vector<16xf32>
        %swap3A_146 = vector.shape_cast %mul3A_141 : vector<16xf32> to vector<1x16xf32>
        tpu.vector_store %arg8[%swap3A_142, %swap3A_143], %swap3A_146 {strides = array<i32>} : memref<800x64xf32, #tpu.memory_space<vmem>>, vector<1x16xf32>,
        %get3A_147 = arith.index_cast %scan3A_122 : i32 to index
        %get3A_148 = arith.constant 32 : index
        %get3A_149 = tpu.vector_load %arg8[%get3A_147, %get3A_148] {strides = array<i32>} : memref<800x64xf32, #tpu.memory_space<vmem>>, vector<1x16xf32>,
        %get3A_150 = vector.shape_cast %get3A_149 : vector<1x16xf32> to vector<16xf32>
        %mul3A_151 = arith.constant 8.000000e+00 : f32
        %mul3A_152 = vector.broadcast %mul3A_151 : f32 to vector<16xf32>
        %mul3A_153 = arith.mulf %get3A_150, %mul3A_152 : vector<16xf32>
        %swap3A_154 = arith.index_cast %scan3A_122 : i32 to index
        %swap3A_155 = arith.constant 32 : index
        %swap3A_156 = tpu.vector_load %arg8[%swap3A_154, %swap3A_155] {strides = array<i32>} : memref<800x64xf32, #tpu.memory_space<vmem>>, vector<1x16xf32>,
        %swap3A_157 = vector.shape_cast %swap3A_156 : vector<1x16xf32> to vector<16xf32>
        %swap3A_158 = vector.shape_cast %mul3A_153 : vector<16xf32> to vector<1x16xf32>
        tpu.vector_store %arg8[%swap3A_154, %swap3A_155], %swap3A_158 {strides = array<i32>} : memref<800x64xf32, #tpu.memory_space<vmem>>, vector<1x16xf32>,
        %get3A_159 = arith.index_cast %scan3A_122 : i32 to index
        %get3A_160 = arith.constant 48 : index
        %get3A_161 = tpu.vector_load %arg8[%get3A_159, %get3A_160] {strides = array<i32>} : memref<800x64xf32, #tpu.memory_space<vmem>>, vector<1x16xf32>,
        %get3A_162 = vector.shape_cast %get3A_161 : vector<1x16xf32> to vector<16xf32>
        %mul3A_163 = arith.constant 8.000000e+00 : f32
        %mul3A_164 = vector.broadcast %mul3A_163 : f32 to vector<16xf32>
        %mul3A_165 = arith.mulf %get3A_162, %mul3A_164 : vector<16xf32>
        %swap3A_166 = arith.index_cast %scan3A_122 : i32 to index
        %swap3A_167 = arith.constant 48 : index
        %swap3A_168 = tpu.vector_load %arg8[%swap3A_166, %swap3A_167] {strides = array<i32>} : memref<800x64xf32, #tpu.memory_space<vmem>>, vector<1x16xf32>,
        %swap3A_169 = vector.shape_cast %swap3A_168 : vector<1x16xf32> to vector<16xf32>
        %swap3A_170 = vector.shape_cast %mul3A_165 : vector<16xf32> to vector<1x16xf32>
        tpu.vector_store %arg8[%swap3A_166, %swap3A_167], %swap3A_170 {strides = array<i32>} : memref<800x64xf32, #tpu.memory_space<vmem>>, vector<1x16xf32>,
        %scan3A_171 = arith.constant 2 : i32
        %scan3A_172 = arith.addi %scan3A_74, %scan3A_171 : i32
        %get3A_173 = arith.index_cast %scan3A_172 : i32 to index
        %get3A_174 = arith.constant 0 : index
        %get3A_175 = tpu.vector_load %arg8[%get3A_173, %get3A_174] {strides = array<i32>} : memref<800x64xf32, #tpu.memory_space<vmem>>, vector<1x16xf32>,
        %get3A_176 = vector.shape_cast %get3A_175 : vector<1x16xf32> to vector<16xf32>
        %mul3A_177 = arith.constant 8.000000e+00 : f32
        %mul3A_178 = vector.broadcast %mul3A_177 : f32 to vector<16xf32>
        %mul3A_179 = arith.mulf %get3A_176, %mul3A_178 : vector<16xf32>
        %swap3A_180 = arith.index_cast %scan3A_172 : i32 to index
        %swap3A_181 = arith.constant 0 : index
        %swap3A_182 = tpu.vector_load %arg8[%swap3A_180, %swap3A_181] {strides = array<i32>} : memref<800x64xf32, #tpu.memory_space<vmem>>, vector<1x16xf32>,
        %swap3A_183 = vector.shape_cast %swap3A_182 : vector<1x16xf32> to vector<16xf32>
        %swap3A_184 = vector.shape_cast %mul3A_179 : vector<16xf32> to vector<1x16xf32>
        tpu.vector_store %arg8[%swap3A_180, %swap3A_181], %swap3A_184 {strides = array<i32>} : memref<800x64xf32, #tpu.memory_space<vmem>>, vector<1x16xf32>,
        %get3A_185 = arith.index_cast %scan3A_172 : i32 to index
        %get3A_186 = arith.constant 16 : index
        %get3A_187 = tpu.vector_load %arg8[%get3A_185, %get3A_186] {strides = array<i32>} : memref<800x64xf32, #tpu.memory_space<vmem>>, vector<1x16xf32>,
        %get3A_188 = vector.shape_cast %get3A_187 : vector<1x16xf32> to vector<16xf32>
        %mul3A_189 = arith.constant 8.000000e+00 : f32
        %mul3A_190 = vector.broadcast %mul3A_189 : f32 to vector<16xf32>
        %mul3A_191 = arith.mulf %get3A_188, %mul3A_190 : vector<16xf32>
        %swap3A_192 = arith.index_cast %scan3A_172 : i32 to index
        %swap3A_193 = arith.constant 16 : index
        %swap3A_194 = tpu.vector_load %arg8[%swap3A_192, %swap3A_193] {strides = array<i32>} : memref<800x64xf32, #tpu.memory_space<vmem>>, vector<1x16xf32>,
        %swap3A_195 = vector.shape_cast %swap3A_194 : vector<1x16xf32> to vector<16xf32>
        %swap3A_196 = vector.shape_cast %mul3A_191 : vector<16xf32> to vector<1x16xf32>
        tpu.vector_store %arg8[%swap3A_192, %swap3A_193], %swap3A_196 {strides = array<i32>} : memref<800x64xf32, #tpu.memory_space<vmem>>, vector<1x16xf32>,
        %get3A_197 = arith.index_cast %scan3A_172 : i32 to index
        %get3A_198 = arith.constant 32 : index
        %get3A_199 = tpu.vector_load %arg8[%get3A_197, %get3A_198] {strides = array<i32>} : memref<800x64xf32, #tpu.memory_space<vmem>>, vector<1x16xf32>,
        %get3A_200 = vector.shape_cast %get3A_199 : vector<1x16xf32> to vector<16xf32>
        %mul3A_201 = arith.constant 8.000000e+00 : f32
        %mul3A_202 = vector.broadcast %mul3A_201 : f32 to vector<16xf32>
        %mul3A_203 = arith.mulf %get3A_200, %mul3A_202 : vector<16xf32>
        %swap3A_204 = arith.index_cast %scan3A_172 : i32 to index
        %swap3A_205 = arith.constant 32 : index
        %swap3A_206 = tpu.vector_load %arg8[%swap3A_204, %swap3A_205] {strides = array<i32>} : memref<800x64xf32, #tpu.memory_space<vmem>>, vector<1x16xf32>,
        %swap3A_207 = vector.shape_cast %swap3A_206 : vector<1x16xf32> to vector<16xf32>
        %swap3A_208 = vector.shape_cast %mul3A_203 : vector<16xf32> to vector<1x16xf32>
        tpu.vector_store %arg8[%swap3A_204, %swap3A_205], %swap3A_208 {strides = array<i32>} : memref<800x64xf32, #tpu.memory_space<vmem>>, vector<1x16xf32>,
        %get3A_209 = arith.index_cast %scan3A_172 : i32 to index
        %get3A_210 = arith.constant 48 : index
        %get3A_211 = tpu.vector_load %arg8[%get3A_209, %get3A_210] {strides = array<i32>} : memref<800x64xf32, #tpu.memory_space<vmem>>, vector<1x16xf32>,
        %get3A_212 = vector.shape_cast %get3A_211 : vector<1x16xf32> to vector<16xf32>
        %mul3A_213 = arith.constant 8.000000e+00 : f32
        %mul3A_214 = vector.broadcast %mul3A_213 : f32 to vector<16xf32>
        %mul3A_215 = arith.mulf %get3A_212, %mul3A_214 : vector<16xf32>
        %swap3A_216 = arith.index_cast %scan3A_172 : i32 to index
        %swap3A_217 = arith.constant 48 : index
        %swap3A_218 = tpu.vector_load %arg8[%swap3A_216, %swap3A_217] {strides = array<i32>} : memref<800x64xf32, #tpu.memory_space<vmem>>, vector<1x16xf32>,
        %swap3A_219 = vector.shape_cast %swap3A_218 : vector<1x16xf32> to vector<16xf32>
        %swap3A_220 = vector.shape_cast %mul3A_215 : vector<16xf32> to vector<1x16xf32>
        tpu.vector_store %arg8[%swap3A_216, %swap3A_217], %swap3A_220 {strides = array<i32>} : memref<800x64xf32, #tpu.memory_space<vmem>>, vector<1x16xf32>,
        %scan3A_221 = arith.constant 3 : i32
        %scan3A_222 = arith.addi %scan3A_74, %scan3A_221 : i32
        %get3A_223 = arith.index_cast %scan3A_222 : i32 to index
        %get3A_224 = arith.constant 0 : index
        %get3A_225 = tpu.vector_load %arg8[%get3A_223, %get3A_224] {strides = array<i32>} : memref<800x64xf32, #tpu.memory_space<vmem>>, vector<1x16xf32>,
        %get3A_226 = vector.shape_cast %get3A_225 : vector<1x16xf32> to vector<16xf32>
        %mul3A_227 = arith.constant 8.000000e+00 : f32
        %mul3A_228 = vector.broadcast %mul3A_227 : f32 to vector<16xf32>
        %mul3A_229 = arith.mulf %get3A_226, %mul3A_228 : vector<16xf32>
        %swap3A_230 = arith.index_cast %scan3A_222 : i32 to index
        %swap3A_231 = arith.constant 0 : index
        %swap3A_232 = tpu.vector_load %arg8[%swap3A_230, %swap3A_231] {strides = array<i32>} : memref<800x64xf32, #tpu.memory_space<vmem>>, vector<1x16xf32>,
        %swap3A_233 = vector.shape_cast %swap3A_232 : vector<1x16xf32> to vector<16xf32>
        %swap3A_234 = vector.shape_cast %mul3A_229 : vector<16xf32> to vector<1x16xf32>
        tpu.vector_store %arg8[%swap3A_230, %swap3A_231], %swap3A_234 {strides = array<i32>} : memref<800x64xf32, #tpu.memory_space<vmem>>, vector<1x16xf32>,
        %get3A_235 = arith.index_cast %scan3A_222 : i32 to index
        %get3A_236 = arith.constant 16 : index
        %get3A_237 = tpu.vector_load %arg8[%get3A_235, %get3A_236] {strides = array<i32>} : memref<800x64xf32, #tpu.memory_space<vmem>>, vector<1x16xf32>,
        %get3A_238 = vector.shape_cast %get3A_237 : vector<1x16xf32> to vector<16xf32>
        %mul3A_239 = arith.constant 8.000000e+00 : f32
        %mul3A_240 = vector.broadcast %mul3A_239 : f32 to vector<16xf32>
        %mul3A_241 = arith.mulf %get3A_238, %mul3A_240 : vector<16xf32>
        %swap3A_242 = arith.index_cast %scan3A_222 : i32 to index
        %swap3A_243 = arith.constant 16 : index
        %swap3A_244 = tpu.vector_load %arg8[%swap3A_242, %swap3A_243] {strides = array<i32>} : memref<800x64xf32, #tpu.memory_space<vmem>>, vector<1x16xf32>,
        %swap3A_245 = vector.shape_cast %swap3A_244 : vector<1x16xf32> to vector<16xf32>
        %swap3A_246 = vector.shape_cast %mul3A_241 : vector<16xf32> to vector<1x16xf32>
        tpu.vector_store %arg8[%swap3A_242, %swap3A_243], %swap3A_246 {strides = array<i32>} : memref<800x64xf32, #tpu.memory_space<vmem>>, vector<1x16xf32>,
        %get3A_247 = arith.index_cast %scan3A_222 : i32 to index
        %get3A_248 = arith.constant 32 : index
        %get3A_249 = tpu.vector_load %arg8[%get3A_247, %get3A_248] {strides = array<i32>} : memref<800x64xf32, #tpu.memory_space<vmem>>, vector<1x16xf32>,
        %get3A_250 = vector.shape_cast %get3A_249 : vector<1x16xf32> to vector<16xf32>
        %mul3A_251 = arith.constant 8.000000e+00 : f32
        %mul3A_252 = vector.broadcast %mul3A_251 : f32 to vector<16xf32>
        %mul3A_253 = arith.mulf %get3A_250, %mul3A_252 : vector<16xf32>
        %swap3A_254 = arith.index_cast %scan3A_222 : i32 to index
        %swap3A_255 = arith.constant 32 : index
        %swap3A_256 = tpu.vector_load %arg8[%swap3A_254, %swap3A_255] {strides = array<i32>} : memref<800x64xf32, #tpu.memory_space<vmem>>, vector<1x16xf32>,
        %swap3A_257 = vector.shape_cast %swap3A_256 : vector<1x16xf32> to vector<16xf32>
        %swap3A_258 = vector.shape_cast %mul3A_253 : vector<16xf32> to vector<1x16xf32>
        tpu.vector_store %arg8[%swap3A_254, %swap3A_255], %swap3A_258 {strides = array<i32>} : memref<800x64xf32, #tpu.memory_space<vmem>>, vector<1x16xf32>,
        %get3A_259 = arith.index_cast %scan3A_222 : i32 to index
        %get3A_260 = arith.constant 48 : index
        %get3A_261 = tpu.vector_load %arg8[%get3A_259, %get3A_260] {strides = array<i32>} : memref<800x64xf32, #tpu.memory_space<vmem>>, vector<1x16xf32>,
        %get3A_262 = vector.shape_cast %get3A_261 : vector<1x16xf32> to vector<16xf32>
        %mul3A_263 = arith.constant 8.000000e+00 : f32
        %mul3A_264 = vector.broadcast %mul3A_263 : f32 to vector<16xf32>
        %mul3A_265 = arith.mulf %get3A_262, %mul3A_264 : vector<16xf32>
        %swap3A_266 = arith.index_cast %scan3A_222 : i32 to index
        %swap3A_267 = arith.constant 48 : index
        %swap3A_268 = tpu.vector_load %arg8[%swap3A_266, %swap3A_267] {strides = array<i32>} : memref<800x64xf32, #tpu.memory_space<vmem>>, vector<1x16xf32>,
        %swap3A_269 = vector.shape_cast %swap3A_268 : vector<1x16xf32> to vector<16xf32>
        %swap3A_270 = vector.shape_cast %mul3A_265 : vector<16xf32> to vector<1x16xf32>
        tpu.vector_store %arg8[%swap3A_266, %swap3A_267], %swap3A_270 {strides = array<i32>} : memref<800x64xf32, #tpu.memory_space<vmem>>, vector<1x16xf32>,
      }
      %scan3A_66 = arith.constant 800 : i32
      %mul3A_67 = arith.constant 800 : i32
      %mul3A_68 = arith.muli %add3A_53, %mul3A_67 : i32
      %add3A_69 = arith.addi %mul3A_2, %mul3A_68 : i32
      %dma_start3A_70 = arith.constant 0 : i32
      %dma_start3A_71 = tpu.memref_slice %arg4[%add3A_69, %dma_start3A_70] : memref<1638400x64xf32, #tpu.memory_space<hbm>> -> memref<800x64xf32, #tpu.memory_space<hbm>>
      %dma_start3A_72 = arith.constant 0 : i32
      %dma_start3A_73 = tpu.memref_slice %arg4[%add3A_69, %dma_start3A_72] : memref<1638400x64xf32, #tpu.memory_space<hbm>> -> memref<800x64xf32, #tpu.memory_space<hbm>>
      tpu.enqueue_dma source(%arg8 : memref<800x64xf32, #tpu.memory_space<vmem>>) target(%dma_start3A_73 : memref<800x64xf32, #tpu.memory_space<hbm>>) target_semaphore(%arg12 : memref<!tpu.dma_semaphore, #tpu.memory_space<semaphore_mem>>)
    }
    %scan3A_11 = arith.constant 32 : i32
    %dma_wait3A = arith.constant 0 : i32
    %dma_wait3A_12 = tpu.memref_slice %arg4[%mul3A_2, %dma_wait3A] : memref<1638400x64xf32, #tpu.memory_space<hbm>> -> memref<800x64xf32, #tpu.memory_space<hbm>>
    %dma_wait3A_13 = arith.constant 0 : i32
    %dma_wait3A_14 = tpu.memref_slice %arg4[%mul3A_2, %dma_wait3A_13] : memref<1638400x64xf32, #tpu.memory_space<hbm>> -> memref<800x64xf32, #tpu.memory_space<hbm>>
    tpu.wait_dma2 semaphore(%arg11 : memref<!tpu.dma_semaphore, #tpu.memory_space<semaphore_mem>>) src(%arg7 : memref<800x64xf32, #tpu.memory_space<vmem>>) dst(%dma_wait3A_14 : memref<800x64xf32, #tpu.memory_space<hbm>>)
    %dma_wait3A_15 = arith.constant 0 : i32
    %dma_wait3A_16 = tpu.memref_slice %arg4[%mul3A_2, %dma_wait3A_15] : memref<1638400x64xf32, #tpu.memory_space<hbm>> -> memref<800x64xf32, #tpu.memory_space<hbm>>
    %dma_wait3A_17 = arith.constant 0 : i32
    %dma_wait3A_18 = tpu.memref_slice %arg4[%mul3A_2, %dma_wait3A_17] : memref<1638400x64xf32, #tpu.memory_space<hbm>> -> memref<800x64xf32, #tpu.memory_space<hbm>>
    tpu.wait_dma2 semaphore(%arg12 : memref<!tpu.dma_semaphore, #tpu.memory_space<semaphore_mem>>) src(%arg8 : memref<800x64xf32, #tpu.memory_space<vmem>>) dst(%dma_wait3A_18 : memref<800x64xf32, #tpu.memory_space<hbm>>)
    return
  }
}

#map = affine_map<(d0, d1) -> (0, 0)>
#map1 = affine_map<(d0, d1) -> (0)>
module attributes {stable_mosaic.version = 14 : i64} {
  func.func @_embed_gather(%arg0: i32, %arg1: i32, %arg2: memref<1000000x64xf32, #tpu.memory_space<hbm>>, %arg3: memref<1638400xi32, #tpu.memory_space<hbm>>, %arg4: memref<1638400x64xf32, #tpu.memory_space<hbm>>, %arg5: memref<800xi32, #tpu.memory_space<vmem>>, %arg6: memref<800xi32, #tpu.memory_space<vmem>>, %arg7: memref<800x64xf32, #tpu.memory_space<vmem>>, %arg8: memref<800x64xf32, #tpu.memory_space<vmem>>, %arg9: memref<!tpu.dma_semaphore, #tpu.memory_space<semaphore_mem>>, %arg10: memref<!tpu.dma_semaphore, #tpu.memory_space<semaphore_mem>>, %arg11: memref<!tpu.dma_semaphore, #tpu.memory_space<semaphore_mem>>, %arg12: memref<!tpu.dma_semaphore, #tpu.memory_space<semaphore_mem>>) attributes {dimension_semantics = [#tpu.dimension_semantics<core_parallel>, #tpu.dimension_semantics<subcore_parallel>], iteration_bounds = array<i64: 2, 16>, scalar_prefetch = 0 : i64, scratch_operands = 8 : i64, tpu.core_type = #tpu.core_type<sc_vector_subcore>, window_params = [{transform_indices = #map}, {transform_indices = #map1}, {transform_indices = #map}]} {
    %mul3A = arith.constant 2 : i32
    %mul3A_0 = arith.muli %arg1, %mul3A : i32
    %add3A = arith.addi %mul3A_0, %arg0 : i32
    %mul3A_1 = arith.constant 51200 : i32
    %mul3A_2 = arith.muli %add3A, %mul3A_1 : i32
    %add3A_3 = arith.constant 0 : i32
    %add3A_4 = arith.addi %mul3A_2, %add3A_3 : i32
    "tpu.region"() ({
      %run_scoped3A = tpu.sem_alloc : memref<!tpu.dma_semaphore, #tpu.memory_space<semaphore_mem>>
      %dma_start3A_19 = tpu.memref_slice %arg3[%add3A_4] : memref<1638400xi32, #tpu.memory_space<hbm>> -> memref<800xi32, #tpu.memory_space<hbm>>
      %dma_start3A_20 = tpu.memref_slice %arg3[%add3A_4] : memref<1638400xi32, #tpu.memory_space<hbm>> -> memref<800xi32, #tpu.memory_space<hbm>>
      tpu.enqueue_dma source(%dma_start3A_20 : memref<800xi32, #tpu.memory_space<hbm>>) target(%arg5 : memref<800xi32, #tpu.memory_space<vmem>>) target_semaphore(%run_scoped3A : memref<!tpu.dma_semaphore, #tpu.memory_space<semaphore_mem>>)
      %dma_wait3A_21 = tpu.memref_slice %arg3[%add3A_4] : memref<1638400xi32, #tpu.memory_space<hbm>> -> memref<800xi32, #tpu.memory_space<hbm>>
      %dma_wait3A_22 = tpu.memref_slice %arg3[%add3A_4] : memref<1638400xi32, #tpu.memory_space<hbm>> -> memref<800xi32, #tpu.memory_space<hbm>>
      tpu.wait_dma2 semaphore(%run_scoped3A : memref<!tpu.dma_semaphore, #tpu.memory_space<semaphore_mem>>) src(%dma_wait3A_22 : memref<800xi32, #tpu.memory_space<hbm>>) dst(%arg5 : memref<800xi32, #tpu.memory_space<vmem>>)
      tpu.yield
    }) : () -> ()
    %dma_start3A = arith.constant 0 : i32
    %dma_start3A_5 = arith.constant 0 : i32
    %dma_start3A_6 = tpu.memref_slice %arg2[%dma_start3A, %dma_start3A_5] : memref<1000000x64xf32, #tpu.memory_space<hbm>> -> memref<1000000x64xf32, #tpu.memory_space<hbm>>
    tpu.enqueue_indirect_dma source(%dma_start3A_6 : memref<1000000x64xf32, #tpu.memory_space<hbm>>) target(%arg7 : memref<800x64xf32, #tpu.memory_space<vmem>>) offsets(%arg5 : memref<800xi32, #tpu.memory_space<vmem>>) semaphore(%arg9 : memref<!tpu.dma_semaphore, #tpu.memory_space<semaphore_mem>>)
    %scan3A = arith.constant 0 : i32
    %scan3A_7 = arith.constant 0 : i32
    %scan3A_8 = arith.constant 32 : i32
    %scan3A_9 = arith.addi %scan3A_7, %scan3A_8 : i32
    %scan3A_10 = arith.constant 1 : i32
    scf.for %scan3A_19 = %scan3A_7 to %scan3A_9 step %scan3A_10  : i32 {
      %mul3A_20 = arith.constant 2 : i32
      %mul3A_21 = arith.muli %mul3A_20, %scan3A_19 : i32
      %add3A_22 = arith.constant 0 : i32
      %add3A_23 = arith.addi %mul3A_21, %add3A_22 : i32
      %dma_wait3A_24 = arith.constant 0 : i32
      %dma_wait3A_25 = arith.constant 0 : i32
      %dma_wait3A_26 = tpu.memref_slice %arg2[%dma_wait3A_24, %dma_wait3A_25] : memref<1000000x64xf32, #tpu.memory_space<hbm>> -> memref<1000000x64xf32, #tpu.memory_space<hbm>>
      tpu.wait_indirect_dma semaphore(%arg9 : memref<!tpu.dma_semaphore, #tpu.memory_space<semaphore_mem>>) src(%dma_wait3A_26 : memref<1000000x64xf32, #tpu.memory_space<hbm>>) dst(%arg7 : memref<800x64xf32, #tpu.memory_space<vmem>>)
      %gt3A = arith.constant 0 : i32
      %gt3A_27 = arith.cmpi sgt, %scan3A_19, %gt3A : i32
      %convert_element_type3A = arith.extui %gt3A_27 : i1 to i32
      %cond3A = arith.constant 0 : i32
      %cond3A_28 = arith.cmpi ne, %convert_element_type3A, %cond3A : i32
      scf.if %cond3A_28 {
        %dma_wait3A_74 = arith.constant 0 : i32
        %dma_wait3A_75 = tpu.memref_slice %arg4[%mul3A_2, %dma_wait3A_74] : memref<1638400x64xf32, #tpu.memory_space<hbm>> -> memref<800x64xf32, #tpu.memory_space<hbm>>
        %dma_wait3A_76 = arith.constant 0 : i32
        %dma_wait3A_77 = tpu.memref_slice %arg4[%mul3A_2, %dma_wait3A_76] : memref<1638400x64xf32, #tpu.memory_space<hbm>> -> memref<800x64xf32, #tpu.memory_space<hbm>>
        tpu.wait_dma2 semaphore(%arg12 : memref<!tpu.dma_semaphore, #tpu.memory_space<semaphore_mem>>) src(%arg8 : memref<800x64xf32, #tpu.memory_space<vmem>>) dst(%dma_wait3A_77 : memref<800x64xf32, #tpu.memory_space<hbm>>)
      } else {
      }
      %add3A_29 = arith.constant 1 : i32
      %add3A_30 = arith.addi %add3A_23, %add3A_29 : i32
      %mul3A_31 = arith.constant 800 : i32
      %mul3A_32 = arith.muli %add3A_30, %mul3A_31 : i32
      %add3A_33 = arith.addi %mul3A_2, %mul3A_32 : i32
      "tpu.region"() ({
        %run_scoped3A = tpu.sem_alloc : memref<!tpu.dma_semaphore, #tpu.memory_space<semaphore_mem>>
        %dma_start3A_74 = tpu.memref_slice %arg3[%add3A_33] : memref<1638400xi32, #tpu.memory_space<hbm>> -> memref<800xi32, #tpu.memory_space<hbm>>
        %dma_start3A_75 = tpu.memref_slice %arg3[%add3A_33] : memref<1638400xi32, #tpu.memory_space<hbm>> -> memref<800xi32, #tpu.memory_space<hbm>>
        tpu.enqueue_dma source(%dma_start3A_75 : memref<800xi32, #tpu.memory_space<hbm>>) target(%arg6 : memref<800xi32, #tpu.memory_space<vmem>>) target_semaphore(%run_scoped3A : memref<!tpu.dma_semaphore, #tpu.memory_space<semaphore_mem>>)
        %dma_wait3A_76 = tpu.memref_slice %arg3[%add3A_33] : memref<1638400xi32, #tpu.memory_space<hbm>> -> memref<800xi32, #tpu.memory_space<hbm>>
        %dma_wait3A_77 = tpu.memref_slice %arg3[%add3A_33] : memref<1638400xi32, #tpu.memory_space<hbm>> -> memref<800xi32, #tpu.memory_space<hbm>>
        tpu.wait_dma2 semaphore(%run_scoped3A : memref<!tpu.dma_semaphore, #tpu.memory_space<semaphore_mem>>) src(%dma_wait3A_77 : memref<800xi32, #tpu.memory_space<hbm>>) dst(%arg6 : memref<800xi32, #tpu.memory_space<vmem>>)
        tpu.yield
      }) : () -> ()
      %dma_start3A_34 = arith.constant 0 : i32
      %dma_start3A_35 = arith.constant 0 : i32
      %dma_start3A_36 = tpu.memref_slice %arg2[%dma_start3A_34, %dma_start3A_35] : memref<1000000x64xf32, #tpu.memory_space<hbm>> -> memref<1000000x64xf32, #tpu.memory_space<hbm>>
      tpu.enqueue_indirect_dma source(%dma_start3A_36 : memref<1000000x64xf32, #tpu.memory_space<hbm>>) target(%arg8 : memref<800x64xf32, #tpu.memory_space<vmem>>) offsets(%arg6 : memref<800xi32, #tpu.memory_space<vmem>>) semaphore(%arg10 : memref<!tpu.dma_semaphore, #tpu.memory_space<semaphore_mem>>)
      %scan3A_37 = arith.constant 0 : i32
      %scan3A_38 = arith.constant 0 : i32
      %scan3A_39 = arith.constant 800 : i32
      %scan3A_40 = arith.addi %scan3A_38, %scan3A_39 : i32
      %scan3A_41 = arith.constant 4 : i32
      scf.for %scan3A_74 = %scan3A_38 to %scan3A_40 step %scan3A_41  : i32 {
        %get3A = arith.index_cast %scan3A_74 : i32 to index
        %get3A_75 = arith.constant 0 : index
        %get3A_76 = tpu.vector_load %arg7[%get3A, %get3A_75] {strides = array<i32>} : memref<800x64xf32, #tpu.memory_space<vmem>>, vector<1x16xf32>,
        %get3A_77 = vector.shape_cast %get3A_76 : vector<1x16xf32> to vector<16xf32>
        %mul3A_78 = arith.constant 8.000000e+00 : f32
        %mul3A_79 = vector.broadcast %mul3A_78 : f32 to vector<16xf32>
        %mul3A_80 = arith.mulf %get3A_77, %mul3A_79 : vector<16xf32>
        %swap3A = arith.index_cast %scan3A_74 : i32 to index
        %swap3A_81 = arith.constant 0 : index
        %swap3A_82 = tpu.vector_load %arg7[%swap3A, %swap3A_81] {strides = array<i32>} : memref<800x64xf32, #tpu.memory_space<vmem>>, vector<1x16xf32>,
        %swap3A_83 = vector.shape_cast %swap3A_82 : vector<1x16xf32> to vector<16xf32>
        %swap3A_84 = vector.shape_cast %mul3A_80 : vector<16xf32> to vector<1x16xf32>
        tpu.vector_store %arg7[%swap3A, %swap3A_81], %swap3A_84 {strides = array<i32>} : memref<800x64xf32, #tpu.memory_space<vmem>>, vector<1x16xf32>,
        %get3A_85 = arith.index_cast %scan3A_74 : i32 to index
        %get3A_86 = arith.constant 16 : index
        %get3A_87 = tpu.vector_load %arg7[%get3A_85, %get3A_86] {strides = array<i32>} : memref<800x64xf32, #tpu.memory_space<vmem>>, vector<1x16xf32>,
        %get3A_88 = vector.shape_cast %get3A_87 : vector<1x16xf32> to vector<16xf32>
        %mul3A_89 = arith.constant 8.000000e+00 : f32
        %mul3A_90 = vector.broadcast %mul3A_89 : f32 to vector<16xf32>
        %mul3A_91 = arith.mulf %get3A_88, %mul3A_90 : vector<16xf32>
        %swap3A_92 = arith.index_cast %scan3A_74 : i32 to index
        %swap3A_93 = arith.constant 16 : index
        %swap3A_94 = tpu.vector_load %arg7[%swap3A_92, %swap3A_93] {strides = array<i32>} : memref<800x64xf32, #tpu.memory_space<vmem>>, vector<1x16xf32>,
        %swap3A_95 = vector.shape_cast %swap3A_94 : vector<1x16xf32> to vector<16xf32>
        %swap3A_96 = vector.shape_cast %mul3A_91 : vector<16xf32> to vector<1x16xf32>
        tpu.vector_store %arg7[%swap3A_92, %swap3A_93], %swap3A_96 {strides = array<i32>} : memref<800x64xf32, #tpu.memory_space<vmem>>, vector<1x16xf32>,
        %get3A_97 = arith.index_cast %scan3A_74 : i32 to index
        %get3A_98 = arith.constant 32 : index
        %get3A_99 = tpu.vector_load %arg7[%get3A_97, %get3A_98] {strides = array<i32>} : memref<800x64xf32, #tpu.memory_space<vmem>>, vector<1x16xf32>,
        %get3A_100 = vector.shape_cast %get3A_99 : vector<1x16xf32> to vector<16xf32>
        %mul3A_101 = arith.constant 8.000000e+00 : f32
        %mul3A_102 = vector.broadcast %mul3A_101 : f32 to vector<16xf32>
        %mul3A_103 = arith.mulf %get3A_100, %mul3A_102 : vector<16xf32>
        %swap3A_104 = arith.index_cast %scan3A_74 : i32 to index
        %swap3A_105 = arith.constant 32 : index
        %swap3A_106 = tpu.vector_load %arg7[%swap3A_104, %swap3A_105] {strides = array<i32>} : memref<800x64xf32, #tpu.memory_space<vmem>>, vector<1x16xf32>,
        %swap3A_107 = vector.shape_cast %swap3A_106 : vector<1x16xf32> to vector<16xf32>
        %swap3A_108 = vector.shape_cast %mul3A_103 : vector<16xf32> to vector<1x16xf32>
        tpu.vector_store %arg7[%swap3A_104, %swap3A_105], %swap3A_108 {strides = array<i32>} : memref<800x64xf32, #tpu.memory_space<vmem>>, vector<1x16xf32>,
        %get3A_109 = arith.index_cast %scan3A_74 : i32 to index
        %get3A_110 = arith.constant 48 : index
        %get3A_111 = tpu.vector_load %arg7[%get3A_109, %get3A_110] {strides = array<i32>} : memref<800x64xf32, #tpu.memory_space<vmem>>, vector<1x16xf32>,
        %get3A_112 = vector.shape_cast %get3A_111 : vector<1x16xf32> to vector<16xf32>
        %mul3A_113 = arith.constant 8.000000e+00 : f32
        %mul3A_114 = vector.broadcast %mul3A_113 : f32 to vector<16xf32>
        %mul3A_115 = arith.mulf %get3A_112, %mul3A_114 : vector<16xf32>
        %swap3A_116 = arith.index_cast %scan3A_74 : i32 to index
        %swap3A_117 = arith.constant 48 : index
        %swap3A_118 = tpu.vector_load %arg7[%swap3A_116, %swap3A_117] {strides = array<i32>} : memref<800x64xf32, #tpu.memory_space<vmem>>, vector<1x16xf32>,
        %swap3A_119 = vector.shape_cast %swap3A_118 : vector<1x16xf32> to vector<16xf32>
        %swap3A_120 = vector.shape_cast %mul3A_115 : vector<16xf32> to vector<1x16xf32>
        tpu.vector_store %arg7[%swap3A_116, %swap3A_117], %swap3A_120 {strides = array<i32>} : memref<800x64xf32, #tpu.memory_space<vmem>>, vector<1x16xf32>,
        %scan3A_121 = arith.constant 1 : i32
        %scan3A_122 = arith.addi %scan3A_74, %scan3A_121 : i32
        %get3A_123 = arith.index_cast %scan3A_122 : i32 to index
        %get3A_124 = arith.constant 0 : index
        %get3A_125 = tpu.vector_load %arg7[%get3A_123, %get3A_124] {strides = array<i32>} : memref<800x64xf32, #tpu.memory_space<vmem>>, vector<1x16xf32>,
        %get3A_126 = vector.shape_cast %get3A_125 : vector<1x16xf32> to vector<16xf32>
        %mul3A_127 = arith.constant 8.000000e+00 : f32
        %mul3A_128 = vector.broadcast %mul3A_127 : f32 to vector<16xf32>
        %mul3A_129 = arith.mulf %get3A_126, %mul3A_128 : vector<16xf32>
        %swap3A_130 = arith.index_cast %scan3A_122 : i32 to index
        %swap3A_131 = arith.constant 0 : index
        %swap3A_132 = tpu.vector_load %arg7[%swap3A_130, %swap3A_131] {strides = array<i32>} : memref<800x64xf32, #tpu.memory_space<vmem>>, vector<1x16xf32>,
        %swap3A_133 = vector.shape_cast %swap3A_132 : vector<1x16xf32> to vector<16xf32>
        %swap3A_134 = vector.shape_cast %mul3A_129 : vector<16xf32> to vector<1x16xf32>
        tpu.vector_store %arg7[%swap3A_130, %swap3A_131], %swap3A_134 {strides = array<i32>} : memref<800x64xf32, #tpu.memory_space<vmem>>, vector<1x16xf32>,
        %get3A_135 = arith.index_cast %scan3A_122 : i32 to index
        %get3A_136 = arith.constant 16 : index
        %get3A_137 = tpu.vector_load %arg7[%get3A_135, %get3A_136] {strides = array<i32>} : memref<800x64xf32, #tpu.memory_space<vmem>>, vector<1x16xf32>,
        %get3A_138 = vector.shape_cast %get3A_137 : vector<1x16xf32> to vector<16xf32>
        %mul3A_139 = arith.constant 8.000000e+00 : f32
        %mul3A_140 = vector.broadcast %mul3A_139 : f32 to vector<16xf32>
        %mul3A_141 = arith.mulf %get3A_138, %mul3A_140 : vector<16xf32>
        %swap3A_142 = arith.index_cast %scan3A_122 : i32 to index
        %swap3A_143 = arith.constant 16 : index
        %swap3A_144 = tpu.vector_load %arg7[%swap3A_142, %swap3A_143] {strides = array<i32>} : memref<800x64xf32, #tpu.memory_space<vmem>>, vector<1x16xf32>,
        %swap3A_145 = vector.shape_cast %swap3A_144 : vector<1x16xf32> to vector<16xf32>
        %swap3A_146 = vector.shape_cast %mul3A_141 : vector<16xf32> to vector<1x16xf32>
        tpu.vector_store %arg7[%swap3A_142, %swap3A_143], %swap3A_146 {strides = array<i32>} : memref<800x64xf32, #tpu.memory_space<vmem>>, vector<1x16xf32>,
        %get3A_147 = arith.index_cast %scan3A_122 : i32 to index
        %get3A_148 = arith.constant 32 : index
        %get3A_149 = tpu.vector_load %arg7[%get3A_147, %get3A_148] {strides = array<i32>} : memref<800x64xf32, #tpu.memory_space<vmem>>, vector<1x16xf32>,
        %get3A_150 = vector.shape_cast %get3A_149 : vector<1x16xf32> to vector<16xf32>
        %mul3A_151 = arith.constant 8.000000e+00 : f32
        %mul3A_152 = vector.broadcast %mul3A_151 : f32 to vector<16xf32>
        %mul3A_153 = arith.mulf %get3A_150, %mul3A_152 : vector<16xf32>
        %swap3A_154 = arith.index_cast %scan3A_122 : i32 to index
        %swap3A_155 = arith.constant 32 : index
        %swap3A_156 = tpu.vector_load %arg7[%swap3A_154, %swap3A_155] {strides = array<i32>} : memref<800x64xf32, #tpu.memory_space<vmem>>, vector<1x16xf32>,
        %swap3A_157 = vector.shape_cast %swap3A_156 : vector<1x16xf32> to vector<16xf32>
        %swap3A_158 = vector.shape_cast %mul3A_153 : vector<16xf32> to vector<1x16xf32>
        tpu.vector_store %arg7[%swap3A_154, %swap3A_155], %swap3A_158 {strides = array<i32>} : memref<800x64xf32, #tpu.memory_space<vmem>>, vector<1x16xf32>,
        %get3A_159 = arith.index_cast %scan3A_122 : i32 to index
        %get3A_160 = arith.constant 48 : index
        %get3A_161 = tpu.vector_load %arg7[%get3A_159, %get3A_160] {strides = array<i32>} : memref<800x64xf32, #tpu.memory_space<vmem>>, vector<1x16xf32>,
        %get3A_162 = vector.shape_cast %get3A_161 : vector<1x16xf32> to vector<16xf32>
        %mul3A_163 = arith.constant 8.000000e+00 : f32
        %mul3A_164 = vector.broadcast %mul3A_163 : f32 to vector<16xf32>
        %mul3A_165 = arith.mulf %get3A_162, %mul3A_164 : vector<16xf32>
        %swap3A_166 = arith.index_cast %scan3A_122 : i32 to index
        %swap3A_167 = arith.constant 48 : index
        %swap3A_168 = tpu.vector_load %arg7[%swap3A_166, %swap3A_167] {strides = array<i32>} : memref<800x64xf32, #tpu.memory_space<vmem>>, vector<1x16xf32>,
        %swap3A_169 = vector.shape_cast %swap3A_168 : vector<1x16xf32> to vector<16xf32>
        %swap3A_170 = vector.shape_cast %mul3A_165 : vector<16xf32> to vector<1x16xf32>
        tpu.vector_store %arg7[%swap3A_166, %swap3A_167], %swap3A_170 {strides = array<i32>} : memref<800x64xf32, #tpu.memory_space<vmem>>, vector<1x16xf32>,
        %scan3A_171 = arith.constant 2 : i32
        %scan3A_172 = arith.addi %scan3A_74, %scan3A_171 : i32
        %get3A_173 = arith.index_cast %scan3A_172 : i32 to index
        %get3A_174 = arith.constant 0 : index
        %get3A_175 = tpu.vector_load %arg7[%get3A_173, %get3A_174] {strides = array<i32>} : memref<800x64xf32, #tpu.memory_space<vmem>>, vector<1x16xf32>,
        %get3A_176 = vector.shape_cast %get3A_175 : vector<1x16xf32> to vector<16xf32>
        %mul3A_177 = arith.constant 8.000000e+00 : f32
        %mul3A_178 = vector.broadcast %mul3A_177 : f32 to vector<16xf32>
        %mul3A_179 = arith.mulf %get3A_176, %mul3A_178 : vector<16xf32>
        %swap3A_180 = arith.index_cast %scan3A_172 : i32 to index
        %swap3A_181 = arith.constant 0 : index
        %swap3A_182 = tpu.vector_load %arg7[%swap3A_180, %swap3A_181] {strides = array<i32>} : memref<800x64xf32, #tpu.memory_space<vmem>>, vector<1x16xf32>,
        %swap3A_183 = vector.shape_cast %swap3A_182 : vector<1x16xf32> to vector<16xf32>
        %swap3A_184 = vector.shape_cast %mul3A_179 : vector<16xf32> to vector<1x16xf32>
        tpu.vector_store %arg7[%swap3A_180, %swap3A_181], %swap3A_184 {strides = array<i32>} : memref<800x64xf32, #tpu.memory_space<vmem>>, vector<1x16xf32>,
        %get3A_185 = arith.index_cast %scan3A_172 : i32 to index
        %get3A_186 = arith.constant 16 : index
        %get3A_187 = tpu.vector_load %arg7[%get3A_185, %get3A_186] {strides = array<i32>} : memref<800x64xf32, #tpu.memory_space<vmem>>, vector<1x16xf32>,
        %get3A_188 = vector.shape_cast %get3A_187 : vector<1x16xf32> to vector<16xf32>
        %mul3A_189 = arith.constant 8.000000e+00 : f32
        %mul3A_190 = vector.broadcast %mul3A_189 : f32 to vector<16xf32>
        %mul3A_191 = arith.mulf %get3A_188, %mul3A_190 : vector<16xf32>
        %swap3A_192 = arith.index_cast %scan3A_172 : i32 to index
        %swap3A_193 = arith.constant 16 : index
        %swap3A_194 = tpu.vector_load %arg7[%swap3A_192, %swap3A_193] {strides = array<i32>} : memref<800x64xf32, #tpu.memory_space<vmem>>, vector<1x16xf32>,
        %swap3A_195 = vector.shape_cast %swap3A_194 : vector<1x16xf32> to vector<16xf32>
        %swap3A_196 = vector.shape_cast %mul3A_191 : vector<16xf32> to vector<1x16xf32>
        tpu.vector_store %arg7[%swap3A_192, %swap3A_193], %swap3A_196 {strides = array<i32>} : memref<800x64xf32, #tpu.memory_space<vmem>>, vector<1x16xf32>,
        %get3A_197 = arith.index_cast %scan3A_172 : i32 to index
        %get3A_198 = arith.constant 32 : index
        %get3A_199 = tpu.vector_load %arg7[%get3A_197, %get3A_198] {strides = array<i32>} : memref<800x64xf32, #tpu.memory_space<vmem>>, vector<1x16xf32>,
        %get3A_200 = vector.shape_cast %get3A_199 : vector<1x16xf32> to vector<16xf32>
        %mul3A_201 = arith.constant 8.000000e+00 : f32
        %mul3A_202 = vector.broadcast %mul3A_201 : f32 to vector<16xf32>
        %mul3A_203 = arith.mulf %get3A_200, %mul3A_202 : vector<16xf32>
        %swap3A_204 = arith.index_cast %scan3A_172 : i32 to index
        %swap3A_205 = arith.constant 32 : index
        %swap3A_206 = tpu.vector_load %arg7[%swap3A_204, %swap3A_205] {strides = array<i32>} : memref<800x64xf32, #tpu.memory_space<vmem>>, vector<1x16xf32>,
        %swap3A_207 = vector.shape_cast %swap3A_206 : vector<1x16xf32> to vector<16xf32>
        %swap3A_208 = vector.shape_cast %mul3A_203 : vector<16xf32> to vector<1x16xf32>
        tpu.vector_store %arg7[%swap3A_204, %swap3A_205], %swap3A_208 {strides = array<i32>} : memref<800x64xf32, #tpu.memory_space<vmem>>, vector<1x16xf32>,
        %get3A_209 = arith.index_cast %scan3A_172 : i32 to index
        %get3A_210 = arith.constant 48 : index
        %get3A_211 = tpu.vector_load %arg7[%get3A_209, %get3A_210] {strides = array<i32>} : memref<800x64xf32, #tpu.memory_space<vmem>>, vector<1x16xf32>,
        %get3A_212 = vector.shape_cast %get3A_211 : vector<1x16xf32> to vector<16xf32>
        %mul3A_213 = arith.constant 8.000000e+00 : f32
        %mul3A_214 = vector.broadcast %mul3A_213 : f32 to vector<16xf32>
        %mul3A_215 = arith.mulf %get3A_212, %mul3A_214 : vector<16xf32>
        %swap3A_216 = arith.index_cast %scan3A_172 : i32 to index
        %swap3A_217 = arith.constant 48 : index
        %swap3A_218 = tpu.vector_load %arg7[%swap3A_216, %swap3A_217] {strides = array<i32>} : memref<800x64xf32, #tpu.memory_space<vmem>>, vector<1x16xf32>,
        %swap3A_219 = vector.shape_cast %swap3A_218 : vector<1x16xf32> to vector<16xf32>
        %swap3A_220 = vector.shape_cast %mul3A_215 : vector<16xf32> to vector<1x16xf32>
        tpu.vector_store %arg7[%swap3A_216, %swap3A_217], %swap3A_220 {strides = array<i32>} : memref<800x64xf32, #tpu.memory_space<vmem>>, vector<1x16xf32>,
        %scan3A_221 = arith.constant 3 : i32
        %scan3A_222 = arith.addi %scan3A_74, %scan3A_221 : i32
        %get3A_223 = arith.index_cast %scan3A_222 : i32 to index
        %get3A_224 = arith.constant 0 : index
        %get3A_225 = tpu.vector_load %arg7[%get3A_223, %get3A_224] {strides = array<i32>} : memref<800x64xf32, #tpu.memory_space<vmem>>, vector<1x16xf32>,
        %get3A_226 = vector.shape_cast %get3A_225 : vector<1x16xf32> to vector<16xf32>
        %mul3A_227 = arith.constant 8.000000e+00 : f32
        %mul3A_228 = vector.broadcast %mul3A_227 : f32 to vector<16xf32>
        %mul3A_229 = arith.mulf %get3A_226, %mul3A_228 : vector<16xf32>
        %swap3A_230 = arith.index_cast %scan3A_222 : i32 to index
        %swap3A_231 = arith.constant 0 : index
        %swap3A_232 = tpu.vector_load %arg7[%swap3A_230, %swap3A_231] {strides = array<i32>} : memref<800x64xf32, #tpu.memory_space<vmem>>, vector<1x16xf32>,
        %swap3A_233 = vector.shape_cast %swap3A_232 : vector<1x16xf32> to vector<16xf32>
        %swap3A_234 = vector.shape_cast %mul3A_229 : vector<16xf32> to vector<1x16xf32>
        tpu.vector_store %arg7[%swap3A_230, %swap3A_231], %swap3A_234 {strides = array<i32>} : memref<800x64xf32, #tpu.memory_space<vmem>>, vector<1x16xf32>,
        %get3A_235 = arith.index_cast %scan3A_222 : i32 to index
        %get3A_236 = arith.constant 16 : index
        %get3A_237 = tpu.vector_load %arg7[%get3A_235, %get3A_236] {strides = array<i32>} : memref<800x64xf32, #tpu.memory_space<vmem>>, vector<1x16xf32>,
        %get3A_238 = vector.shape_cast %get3A_237 : vector<1x16xf32> to vector<16xf32>
        %mul3A_239 = arith.constant 8.000000e+00 : f32
        %mul3A_240 = vector.broadcast %mul3A_239 : f32 to vector<16xf32>
        %mul3A_241 = arith.mulf %get3A_238, %mul3A_240 : vector<16xf32>
        %swap3A_242 = arith.index_cast %scan3A_222 : i32 to index
        %swap3A_243 = arith.constant 16 : index
        %swap3A_244 = tpu.vector_load %arg7[%swap3A_242, %swap3A_243] {strides = array<i32>} : memref<800x64xf32, #tpu.memory_space<vmem>>, vector<1x16xf32>,
        %swap3A_245 = vector.shape_cast %swap3A_244 : vector<1x16xf32> to vector<16xf32>
        %swap3A_246 = vector.shape_cast %mul3A_241 : vector<16xf32> to vector<1x16xf32>
        tpu.vector_store %arg7[%swap3A_242, %swap3A_243], %swap3A_246 {strides = array<i32>} : memref<800x64xf32, #tpu.memory_space<vmem>>, vector<1x16xf32>,
        %get3A_247 = arith.index_cast %scan3A_222 : i32 to index
        %get3A_248 = arith.constant 32 : index
        %get3A_249 = tpu.vector_load %arg7[%get3A_247, %get3A_248] {strides = array<i32>} : memref<800x64xf32, #tpu.memory_space<vmem>>, vector<1x16xf32>,
        %get3A_250 = vector.shape_cast %get3A_249 : vector<1x16xf32> to vector<16xf32>
        %mul3A_251 = arith.constant 8.000000e+00 : f32
        %mul3A_252 = vector.broadcast %mul3A_251 : f32 to vector<16xf32>
        %mul3A_253 = arith.mulf %get3A_250, %mul3A_252 : vector<16xf32>
        %swap3A_254 = arith.index_cast %scan3A_222 : i32 to index
        %swap3A_255 = arith.constant 32 : index
        %swap3A_256 = tpu.vector_load %arg7[%swap3A_254, %swap3A_255] {strides = array<i32>} : memref<800x64xf32, #tpu.memory_space<vmem>>, vector<1x16xf32>,
        %swap3A_257 = vector.shape_cast %swap3A_256 : vector<1x16xf32> to vector<16xf32>
        %swap3A_258 = vector.shape_cast %mul3A_253 : vector<16xf32> to vector<1x16xf32>
        tpu.vector_store %arg7[%swap3A_254, %swap3A_255], %swap3A_258 {strides = array<i32>} : memref<800x64xf32, #tpu.memory_space<vmem>>, vector<1x16xf32>,
        %get3A_259 = arith.index_cast %scan3A_222 : i32 to index
        %get3A_260 = arith.constant 48 : index
        %get3A_261 = tpu.vector_load %arg7[%get3A_259, %get3A_260] {strides = array<i32>} : memref<800x64xf32, #tpu.memory_space<vmem>>, vector<1x16xf32>,
        %get3A_262 = vector.shape_cast %get3A_261 : vector<1x16xf32> to vector<16xf32>
        %mul3A_263 = arith.constant 8.000000e+00 : f32
        %mul3A_264 = vector.broadcast %mul3A_263 : f32 to vector<16xf32>
        %mul3A_265 = arith.mulf %get3A_262, %mul3A_264 : vector<16xf32>
        %swap3A_266 = arith.index_cast %scan3A_222 : i32 to index
        %swap3A_267 = arith.constant 48 : index
        %swap3A_268 = tpu.vector_load %arg7[%swap3A_266, %swap3A_267] {strides = array<i32>} : memref<800x64xf32, #tpu.memory_space<vmem>>, vector<1x16xf32>,
        %swap3A_269 = vector.shape_cast %swap3A_268 : vector<1x16xf32> to vector<16xf32>
        %swap3A_270 = vector.shape_cast %mul3A_265 : vector<16xf32> to vector<1x16xf32>
        tpu.vector_store %arg7[%swap3A_266, %swap3A_267], %swap3A_270 {strides = array<i32>} : memref<800x64xf32, #tpu.memory_space<vmem>>, vector<1x16xf32>,
      }
      %scan3A_42 = arith.constant 800 : i32
      %mul3A_43 = arith.constant 800 : i32
      %mul3A_44 = arith.muli %add3A_23, %mul3A_43 : i32
      %add3A_45 = arith.addi %mul3A_2, %mul3A_44 : i32
      %dma_start3A_46 = arith.constant 0 : i32
      %dma_start3A_47 = tpu.memref_slice %arg4[%add3A_45, %dma_start3A_46] : memref<1638400x64xf32, #tpu.memory_space<hbm>> -> memref<800x64xf32, #tpu.memory_space<hbm>>
      %dma_start3A_48 = arith.constant 0 : i32
      %dma_start3A_49 = tpu.memref_slice %arg4[%add3A_45, %dma_start3A_48] : memref<1638400x64xf32, #tpu.memory_space<hbm>> -> memref<800x64xf32, #tpu.memory_space<hbm>>
      tpu.enqueue_dma source(%arg7 : memref<800x64xf32, #tpu.memory_space<vmem>>) target(%dma_start3A_49 : memref<800x64xf32, #tpu.memory_space<hbm>>) target_semaphore(%arg11 : memref<!tpu.dma_semaphore, #tpu.memory_space<semaphore_mem>>)
      %mul3A_50 = arith.constant 2 : i32
      %mul3A_51 = arith.muli %mul3A_50, %scan3A_19 : i32
      %add3A_52 = arith.constant 1 : i32
      %add3A_53 = arith.addi %mul3A_51, %add3A_52 : i32
      %dma_wait3A_54 = arith.constant 0 : i32
      %dma_wait3A_55 = arith.constant 0 : i32
      %dma_wait3A_56 = tpu.memref_slice %arg2[%dma_wait3A_54, %dma_wait3A_55] : memref<1000000x64xf32, #tpu.memory_space<hbm>> -> memref<1000000x64xf32, #tpu.memory_space<hbm>>
      tpu.wait_indirect_dma semaphore(%arg10 : memref<!tpu.dma_semaphore, #tpu.memory_space<semaphore_mem>>) src(%dma_wait3A_56 : memref<1000000x64xf32, #tpu.memory_space<hbm>>) dst(%arg8 : memref<800x64xf32, #tpu.memory_space<vmem>>)
      %lt3A = arith.constant 31 : i32
      %lt3A_57 = arith.cmpi slt, %scan3A_19, %lt3A : i32
      %convert_element_type3A_58 = arith.extui %lt3A_57 : i1 to i32
      %cond3A_59 = arith.constant 0 : i32
      %cond3A_60 = arith.cmpi ne, %convert_element_type3A_58, %cond3A_59 : i32
      scf.if %cond3A_60 {
        %dma_wait3A_74 = arith.constant 0 : i32
        %dma_wait3A_75 = tpu.memref_slice %arg4[%mul3A_2, %dma_wait3A_74] : memref<1638400x64xf32, #tpu.memory_space<hbm>> -> memref<800x64xf32, #tpu.memory_space<hbm>>
        %dma_wait3A_76 = arith.constant 0 : i32
        %dma_wait3A_77 = tpu.memref_slice %arg4[%mul3A_2, %dma_wait3A_76] : memref<1638400x64xf32, #tpu.memory_space<hbm>> -> memref<800x64xf32, #tpu.memory_space<hbm>>
        tpu.wait_dma2 semaphore(%arg11 : memref<!tpu.dma_semaphore, #tpu.memory_space<semaphore_mem>>) src(%arg7 : memref<800x64xf32, #tpu.memory_space<vmem>>) dst(%dma_wait3A_77 : memref<800x64xf32, #tpu.memory_space<hbm>>)
        %add3A_78 = arith.constant 1 : i32
        %add3A_79 = arith.addi %add3A_53, %add3A_78 : i32
        %mul3A_80 = arith.constant 800 : i32
        %mul3A_81 = arith.muli %add3A_79, %mul3A_80 : i32
        %add3A_82 = arith.addi %mul3A_2, %mul3A_81 : i32
        "tpu.region"() ({
          %run_scoped3A = tpu.sem_alloc : memref<!tpu.dma_semaphore, #tpu.memory_space<semaphore_mem>>
          %dma_start3A_86 = tpu.memref_slice %arg3[%add3A_82] : memref<1638400xi32, #tpu.memory_space<hbm>> -> memref<800xi32, #tpu.memory_space<hbm>>
          %dma_start3A_87 = tpu.memref_slice %arg3[%add3A_82] : memref<1638400xi32, #tpu.memory_space<hbm>> -> memref<800xi32, #tpu.memory_space<hbm>>
          tpu.enqueue_dma source(%dma_start3A_87 : memref<800xi32, #tpu.memory_space<hbm>>) target(%arg5 : memref<800xi32, #tpu.memory_space<vmem>>) target_semaphore(%run_scoped3A : memref<!tpu.dma_semaphore, #tpu.memory_space<semaphore_mem>>)
          %dma_wait3A_88 = tpu.memref_slice %arg3[%add3A_82] : memref<1638400xi32, #tpu.memory_space<hbm>> -> memref<800xi32, #tpu.memory_space<hbm>>
          %dma_wait3A_89 = tpu.memref_slice %arg3[%add3A_82] : memref<1638400xi32, #tpu.memory_space<hbm>> -> memref<800xi32, #tpu.memory_space<hbm>>
          tpu.wait_dma2 semaphore(%run_scoped3A : memref<!tpu.dma_semaphore, #tpu.memory_space<semaphore_mem>>) src(%dma_wait3A_89 : memref<800xi32, #tpu.memory_space<hbm>>) dst(%arg5 : memref<800xi32, #tpu.memory_space<vmem>>)
          tpu.yield
        }) : () -> ()
        %dma_start3A_83 = arith.constant 0 : i32
        %dma_start3A_84 = arith.constant 0 : i32
        %dma_start3A_85 = tpu.memref_slice %arg2[%dma_start3A_83, %dma_start3A_84] : memref<1000000x64xf32, #tpu.memory_space<hbm>> -> memref<1000000x64xf32, #tpu.memory_space<hbm>>
        tpu.enqueue_indirect_dma source(%dma_start3A_85 : memref<1000000x64xf32, #tpu.memory_space<hbm>>) target(%arg7 : memref<800x64xf32, #tpu.memory_space<vmem>>) offsets(%arg5 : memref<800xi32, #tpu.memory_space<vmem>>) semaphore(%arg9 : memref<!tpu.dma_semaphore, #tpu.memory_space<semaphore_mem>>)
      } else {
      }
      %scan3A_61 = arith.constant 0 : i32
      %scan3A_62 = arith.constant 0 : i32
      %scan3A_63 = arith.constant 800 : i32
      %scan3A_64 = arith.addi %scan3A_62, %scan3A_63 : i32
      %scan3A_65 = arith.constant 4 : i32
      scf.for %scan3A_74 = %scan3A_62 to %scan3A_64 step %scan3A_65  : i32 {
        %get3A = arith.index_cast %scan3A_74 : i32 to index
        %get3A_75 = arith.constant 0 : index
        %get3A_76 = tpu.vector_load %arg8[%get3A, %get3A_75] {strides = array<i32>} : memref<800x64xf32, #tpu.memory_space<vmem>>, vector<1x16xf32>,
        %get3A_77 = vector.shape_cast %get3A_76 : vector<1x16xf32> to vector<16xf32>
        %mul3A_78 = arith.constant 8.000000e+00 : f32
        %mul3A_79 = vector.broadcast %mul3A_78 : f32 to vector<16xf32>
        %mul3A_80 = arith.mulf %get3A_77, %mul3A_79 : vector<16xf32>
        %swap3A = arith.index_cast %scan3A_74 : i32 to index
        %swap3A_81 = arith.constant 0 : index
        %swap3A_82 = tpu.vector_load %arg8[%swap3A, %swap3A_81] {strides = array<i32>} : memref<800x64xf32, #tpu.memory_space<vmem>>, vector<1x16xf32>,
        %swap3A_83 = vector.shape_cast %swap3A_82 : vector<1x16xf32> to vector<16xf32>
        %swap3A_84 = vector.shape_cast %mul3A_80 : vector<16xf32> to vector<1x16xf32>
        tpu.vector_store %arg8[%swap3A, %swap3A_81], %swap3A_84 {strides = array<i32>} : memref<800x64xf32, #tpu.memory_space<vmem>>, vector<1x16xf32>,
        %get3A_85 = arith.index_cast %scan3A_74 : i32 to index
        %get3A_86 = arith.constant 16 : index
        %get3A_87 = tpu.vector_load %arg8[%get3A_85, %get3A_86] {strides = array<i32>} : memref<800x64xf32, #tpu.memory_space<vmem>>, vector<1x16xf32>,
        %get3A_88 = vector.shape_cast %get3A_87 : vector<1x16xf32> to vector<16xf32>
        %mul3A_89 = arith.constant 8.000000e+00 : f32
        %mul3A_90 = vector.broadcast %mul3A_89 : f32 to vector<16xf32>
        %mul3A_91 = arith.mulf %get3A_88, %mul3A_90 : vector<16xf32>
        %swap3A_92 = arith.index_cast %scan3A_74 : i32 to index
        %swap3A_93 = arith.constant 16 : index
        %swap3A_94 = tpu.vector_load %arg8[%swap3A_92, %swap3A_93] {strides = array<i32>} : memref<800x64xf32, #tpu.memory_space<vmem>>, vector<1x16xf32>,
        %swap3A_95 = vector.shape_cast %swap3A_94 : vector<1x16xf32> to vector<16xf32>
        %swap3A_96 = vector.shape_cast %mul3A_91 : vector<16xf32> to vector<1x16xf32>
        tpu.vector_store %arg8[%swap3A_92, %swap3A_93], %swap3A_96 {strides = array<i32>} : memref<800x64xf32, #tpu.memory_space<vmem>>, vector<1x16xf32>,
        %get3A_97 = arith.index_cast %scan3A_74 : i32 to index
        %get3A_98 = arith.constant 32 : index
        %get3A_99 = tpu.vector_load %arg8[%get3A_97, %get3A_98] {strides = array<i32>} : memref<800x64xf32, #tpu.memory_space<vmem>>, vector<1x16xf32>,
        %get3A_100 = vector.shape_cast %get3A_99 : vector<1x16xf32> to vector<16xf32>
        %mul3A_101 = arith.constant 8.000000e+00 : f32
        %mul3A_102 = vector.broadcast %mul3A_101 : f32 to vector<16xf32>
        %mul3A_103 = arith.mulf %get3A_100, %mul3A_102 : vector<16xf32>
        %swap3A_104 = arith.index_cast %scan3A_74 : i32 to index
        %swap3A_105 = arith.constant 32 : index
        %swap3A_106 = tpu.vector_load %arg8[%swap3A_104, %swap3A_105] {strides = array<i32>} : memref<800x64xf32, #tpu.memory_space<vmem>>, vector<1x16xf32>,
        %swap3A_107 = vector.shape_cast %swap3A_106 : vector<1x16xf32> to vector<16xf32>
        %swap3A_108 = vector.shape_cast %mul3A_103 : vector<16xf32> to vector<1x16xf32>
        tpu.vector_store %arg8[%swap3A_104, %swap3A_105], %swap3A_108 {strides = array<i32>} : memref<800x64xf32, #tpu.memory_space<vmem>>, vector<1x16xf32>,
        %get3A_109 = arith.index_cast %scan3A_74 : i32 to index
        %get3A_110 = arith.constant 48 : index
        %get3A_111 = tpu.vector_load %arg8[%get3A_109, %get3A_110] {strides = array<i32>} : memref<800x64xf32, #tpu.memory_space<vmem>>, vector<1x16xf32>,
        %get3A_112 = vector.shape_cast %get3A_111 : vector<1x16xf32> to vector<16xf32>
        %mul3A_113 = arith.constant 8.000000e+00 : f32
        %mul3A_114 = vector.broadcast %mul3A_113 : f32 to vector<16xf32>
        %mul3A_115 = arith.mulf %get3A_112, %mul3A_114 : vector<16xf32>
        %swap3A_116 = arith.index_cast %scan3A_74 : i32 to index
        %swap3A_117 = arith.constant 48 : index
        %swap3A_118 = tpu.vector_load %arg8[%swap3A_116, %swap3A_117] {strides = array<i32>} : memref<800x64xf32, #tpu.memory_space<vmem>>, vector<1x16xf32>,
        %swap3A_119 = vector.shape_cast %swap3A_118 : vector<1x16xf32> to vector<16xf32>
        %swap3A_120 = vector.shape_cast %mul3A_115 : vector<16xf32> to vector<1x16xf32>
        tpu.vector_store %arg8[%swap3A_116, %swap3A_117], %swap3A_120 {strides = array<i32>} : memref<800x64xf32, #tpu.memory_space<vmem>>, vector<1x16xf32>,
        %scan3A_121 = arith.constant 1 : i32
        %scan3A_122 = arith.addi %scan3A_74, %scan3A_121 : i32
        %get3A_123 = arith.index_cast %scan3A_122 : i32 to index
        %get3A_124 = arith.constant 0 : index
        %get3A_125 = tpu.vector_load %arg8[%get3A_123, %get3A_124] {strides = array<i32>} : memref<800x64xf32, #tpu.memory_space<vmem>>, vector<1x16xf32>,
        %get3A_126 = vector.shape_cast %get3A_125 : vector<1x16xf32> to vector<16xf32>
        %mul3A_127 = arith.constant 8.000000e+00 : f32
        %mul3A_128 = vector.broadcast %mul3A_127 : f32 to vector<16xf32>
        %mul3A_129 = arith.mulf %get3A_126, %mul3A_128 : vector<16xf32>
        %swap3A_130 = arith.index_cast %scan3A_122 : i32 to index
        %swap3A_131 = arith.constant 0 : index
        %swap3A_132 = tpu.vector_load %arg8[%swap3A_130, %swap3A_131] {strides = array<i32>} : memref<800x64xf32, #tpu.memory_space<vmem>>, vector<1x16xf32>,
        %swap3A_133 = vector.shape_cast %swap3A_132 : vector<1x16xf32> to vector<16xf32>
        %swap3A_134 = vector.shape_cast %mul3A_129 : vector<16xf32> to vector<1x16xf32>
        tpu.vector_store %arg8[%swap3A_130, %swap3A_131], %swap3A_134 {strides = array<i32>} : memref<800x64xf32, #tpu.memory_space<vmem>>, vector<1x16xf32>,
        %get3A_135 = arith.index_cast %scan3A_122 : i32 to index
        %get3A_136 = arith.constant 16 : index
        %get3A_137 = tpu.vector_load %arg8[%get3A_135, %get3A_136] {strides = array<i32>} : memref<800x64xf32, #tpu.memory_space<vmem>>, vector<1x16xf32>,
        %get3A_138 = vector.shape_cast %get3A_137 : vector<1x16xf32> to vector<16xf32>
        %mul3A_139 = arith.constant 8.000000e+00 : f32
        %mul3A_140 = vector.broadcast %mul3A_139 : f32 to vector<16xf32>
        %mul3A_141 = arith.mulf %get3A_138, %mul3A_140 : vector<16xf32>
        %swap3A_142 = arith.index_cast %scan3A_122 : i32 to index
        %swap3A_143 = arith.constant 16 : index
        %swap3A_144 = tpu.vector_load %arg8[%swap3A_142, %swap3A_143] {strides = array<i32>} : memref<800x64xf32, #tpu.memory_space<vmem>>, vector<1x16xf32>,
        %swap3A_145 = vector.shape_cast %swap3A_144 : vector<1x16xf32> to vector<16xf32>
        %swap3A_146 = vector.shape_cast %mul3A_141 : vector<16xf32> to vector<1x16xf32>
        tpu.vector_store %arg8[%swap3A_142, %swap3A_143], %swap3A_146 {strides = array<i32>} : memref<800x64xf32, #tpu.memory_space<vmem>>, vector<1x16xf32>,
        %get3A_147 = arith.index_cast %scan3A_122 : i32 to index
        %get3A_148 = arith.constant 32 : index
        %get3A_149 = tpu.vector_load %arg8[%get3A_147, %get3A_148] {strides = array<i32>} : memref<800x64xf32, #tpu.memory_space<vmem>>, vector<1x16xf32>,
        %get3A_150 = vector.shape_cast %get3A_149 : vector<1x16xf32> to vector<16xf32>
        %mul3A_151 = arith.constant 8.000000e+00 : f32
        %mul3A_152 = vector.broadcast %mul3A_151 : f32 to vector<16xf32>
        %mul3A_153 = arith.mulf %get3A_150, %mul3A_152 : vector<16xf32>
        %swap3A_154 = arith.index_cast %scan3A_122 : i32 to index
        %swap3A_155 = arith.constant 32 : index
        %swap3A_156 = tpu.vector_load %arg8[%swap3A_154, %swap3A_155] {strides = array<i32>} : memref<800x64xf32, #tpu.memory_space<vmem>>, vector<1x16xf32>,
        %swap3A_157 = vector.shape_cast %swap3A_156 : vector<1x16xf32> to vector<16xf32>
        %swap3A_158 = vector.shape_cast %mul3A_153 : vector<16xf32> to vector<1x16xf32>
        tpu.vector_store %arg8[%swap3A_154, %swap3A_155], %swap3A_158 {strides = array<i32>} : memref<800x64xf32, #tpu.memory_space<vmem>>, vector<1x16xf32>,
        %get3A_159 = arith.index_cast %scan3A_122 : i32 to index
        %get3A_160 = arith.constant 48 : index
        %get3A_161 = tpu.vector_load %arg8[%get3A_159, %get3A_160] {strides = array<i32>} : memref<800x64xf32, #tpu.memory_space<vmem>>, vector<1x16xf32>,
        %get3A_162 = vector.shape_cast %get3A_161 : vector<1x16xf32> to vector<16xf32>
        %mul3A_163 = arith.constant 8.000000e+00 : f32
        %mul3A_164 = vector.broadcast %mul3A_163 : f32 to vector<16xf32>
        %mul3A_165 = arith.mulf %get3A_162, %mul3A_164 : vector<16xf32>
        %swap3A_166 = arith.index_cast %scan3A_122 : i32 to index
        %swap3A_167 = arith.constant 48 : index
        %swap3A_168 = tpu.vector_load %arg8[%swap3A_166, %swap3A_167] {strides = array<i32>} : memref<800x64xf32, #tpu.memory_space<vmem>>, vector<1x16xf32>,
        %swap3A_169 = vector.shape_cast %swap3A_168 : vector<1x16xf32> to vector<16xf32>
        %swap3A_170 = vector.shape_cast %mul3A_165 : vector<16xf32> to vector<1x16xf32>
        tpu.vector_store %arg8[%swap3A_166, %swap3A_167], %swap3A_170 {strides = array<i32>} : memref<800x64xf32, #tpu.memory_space<vmem>>, vector<1x16xf32>,
        %scan3A_171 = arith.constant 2 : i32
        %scan3A_172 = arith.addi %scan3A_74, %scan3A_171 : i32
        %get3A_173 = arith.index_cast %scan3A_172 : i32 to index
        %get3A_174 = arith.constant 0 : index
        %get3A_175 = tpu.vector_load %arg8[%get3A_173, %get3A_174] {strides = array<i32>} : memref<800x64xf32, #tpu.memory_space<vmem>>, vector<1x16xf32>,
        %get3A_176 = vector.shape_cast %get3A_175 : vector<1x16xf32> to vector<16xf32>
        %mul3A_177 = arith.constant 8.000000e+00 : f32
        %mul3A_178 = vector.broadcast %mul3A_177 : f32 to vector<16xf32>
        %mul3A_179 = arith.mulf %get3A_176, %mul3A_178 : vector<16xf32>
        %swap3A_180 = arith.index_cast %scan3A_172 : i32 to index
        %swap3A_181 = arith.constant 0 : index
        %swap3A_182 = tpu.vector_load %arg8[%swap3A_180, %swap3A_181] {strides = array<i32>} : memref<800x64xf32, #tpu.memory_space<vmem>>, vector<1x16xf32>,
        %swap3A_183 = vector.shape_cast %swap3A_182 : vector<1x16xf32> to vector<16xf32>
        %swap3A_184 = vector.shape_cast %mul3A_179 : vector<16xf32> to vector<1x16xf32>
        tpu.vector_store %arg8[%swap3A_180, %swap3A_181], %swap3A_184 {strides = array<i32>} : memref<800x64xf32, #tpu.memory_space<vmem>>, vector<1x16xf32>,
        %get3A_185 = arith.index_cast %scan3A_172 : i32 to index
        %get3A_186 = arith.constant 16 : index
        %get3A_187 = tpu.vector_load %arg8[%get3A_185, %get3A_186] {strides = array<i32>} : memref<800x64xf32, #tpu.memory_space<vmem>>, vector<1x16xf32>,
        %get3A_188 = vector.shape_cast %get3A_187 : vector<1x16xf32> to vector<16xf32>
        %mul3A_189 = arith.constant 8.000000e+00 : f32
        %mul3A_190 = vector.broadcast %mul3A_189 : f32 to vector<16xf32>
        %mul3A_191 = arith.mulf %get3A_188, %mul3A_190 : vector<16xf32>
        %swap3A_192 = arith.index_cast %scan3A_172 : i32 to index
        %swap3A_193 = arith.constant 16 : index
        %swap3A_194 = tpu.vector_load %arg8[%swap3A_192, %swap3A_193] {strides = array<i32>} : memref<800x64xf32, #tpu.memory_space<vmem>>, vector<1x16xf32>,
        %swap3A_195 = vector.shape_cast %swap3A_194 : vector<1x16xf32> to vector<16xf32>
        %swap3A_196 = vector.shape_cast %mul3A_191 : vector<16xf32> to vector<1x16xf32>
        tpu.vector_store %arg8[%swap3A_192, %swap3A_193], %swap3A_196 {strides = array<i32>} : memref<800x64xf32, #tpu.memory_space<vmem>>, vector<1x16xf32>,
        %get3A_197 = arith.index_cast %scan3A_172 : i32 to index
        %get3A_198 = arith.constant 32 : index
        %get3A_199 = tpu.vector_load %arg8[%get3A_197, %get3A_198] {strides = array<i32>} : memref<800x64xf32, #tpu.memory_space<vmem>>, vector<1x16xf32>,
        %get3A_200 = vector.shape_cast %get3A_199 : vector<1x16xf32> to vector<16xf32>
        %mul3A_201 = arith.constant 8.000000e+00 : f32
        %mul3A_202 = vector.broadcast %mul3A_201 : f32 to vector<16xf32>
        %mul3A_203 = arith.mulf %get3A_200, %mul3A_202 : vector<16xf32>
        %swap3A_204 = arith.index_cast %scan3A_172 : i32 to index
        %swap3A_205 = arith.constant 32 : index
        %swap3A_206 = tpu.vector_load %arg8[%swap3A_204, %swap3A_205] {strides = array<i32>} : memref<800x64xf32, #tpu.memory_space<vmem>>, vector<1x16xf32>,
        %swap3A_207 = vector.shape_cast %swap3A_206 : vector<1x16xf32> to vector<16xf32>
        %swap3A_208 = vector.shape_cast %mul3A_203 : vector<16xf32> to vector<1x16xf32>
        tpu.vector_store %arg8[%swap3A_204, %swap3A_205], %swap3A_208 {strides = array<i32>} : memref<800x64xf32, #tpu.memory_space<vmem>>, vector<1x16xf32>,
        %get3A_209 = arith.index_cast %scan3A_172 : i32 to index
        %get3A_210 = arith.constant 48 : index
        %get3A_211 = tpu.vector_load %arg8[%get3A_209, %get3A_210] {strides = array<i32>} : memref<800x64xf32, #tpu.memory_space<vmem>>, vector<1x16xf32>,
        %get3A_212 = vector.shape_cast %get3A_211 : vector<1x16xf32> to vector<16xf32>
        %mul3A_213 = arith.constant 8.000000e+00 : f32
        %mul3A_214 = vector.broadcast %mul3A_213 : f32 to vector<16xf32>
        %mul3A_215 = arith.mulf %get3A_212, %mul3A_214 : vector<16xf32>
        %swap3A_216 = arith.index_cast %scan3A_172 : i32 to index
        %swap3A_217 = arith.constant 48 : index
        %swap3A_218 = tpu.vector_load %arg8[%swap3A_216, %swap3A_217] {strides = array<i32>} : memref<800x64xf32, #tpu.memory_space<vmem>>, vector<1x16xf32>,
        %swap3A_219 = vector.shape_cast %swap3A_218 : vector<1x16xf32> to vector<16xf32>
        %swap3A_220 = vector.shape_cast %mul3A_215 : vector<16xf32> to vector<1x16xf32>
        tpu.vector_store %arg8[%swap3A_216, %swap3A_217], %swap3A_220 {strides = array<i32>} : memref<800x64xf32, #tpu.memory_space<vmem>>, vector<1x16xf32>,
        %scan3A_221 = arith.constant 3 : i32
        %scan3A_222 = arith.addi %scan3A_74, %scan3A_221 : i32
        %get3A_223 = arith.index_cast %scan3A_222 : i32 to index
        %get3A_224 = arith.constant 0 : index
        %get3A_225 = tpu.vector_load %arg8[%get3A_223, %get3A_224] {strides = array<i32>} : memref<800x64xf32, #tpu.memory_space<vmem>>, vector<1x16xf32>,
        %get3A_226 = vector.shape_cast %get3A_225 : vector<1x16xf32> to vector<16xf32>
        %mul3A_227 = arith.constant 8.000000e+00 : f32
        %mul3A_228 = vector.broadcast %mul3A_227 : f32 to vector<16xf32>
        %mul3A_229 = arith.mulf %get3A_226, %mul3A_228 : vector<16xf32>
        %swap3A_230 = arith.index_cast %scan3A_222 : i32 to index
        %swap3A_231 = arith.constant 0 : index
        %swap3A_232 = tpu.vector_load %arg8[%swap3A_230, %swap3A_231] {strides = array<i32>} : memref<800x64xf32, #tpu.memory_space<vmem>>, vector<1x16xf32>,
        %swap3A_233 = vector.shape_cast %swap3A_232 : vector<1x16xf32> to vector<16xf32>
        %swap3A_234 = vector.shape_cast %mul3A_229 : vector<16xf32> to vector<1x16xf32>
        tpu.vector_store %arg8[%swap3A_230, %swap3A_231], %swap3A_234 {strides = array<i32>} : memref<800x64xf32, #tpu.memory_space<vmem>>, vector<1x16xf32>,
        %get3A_235 = arith.index_cast %scan3A_222 : i32 to index
        %get3A_236 = arith.constant 16 : index
        %get3A_237 = tpu.vector_load %arg8[%get3A_235, %get3A_236] {strides = array<i32>} : memref<800x64xf32, #tpu.memory_space<vmem>>, vector<1x16xf32>,
        %get3A_238 = vector.shape_cast %get3A_237 : vector<1x16xf32> to vector<16xf32>
        %mul3A_239 = arith.constant 8.000000e+00 : f32
        %mul3A_240 = vector.broadcast %mul3A_239 : f32 to vector<16xf32>
        %mul3A_241 = arith.mulf %get3A_238, %mul3A_240 : vector<16xf32>
        %swap3A_242 = arith.index_cast %scan3A_222 : i32 to index
        %swap3A_243 = arith.constant 16 : index
        %swap3A_244 = tpu.vector_load %arg8[%swap3A_242, %swap3A_243] {strides = array<i32>} : memref<800x64xf32, #tpu.memory_space<vmem>>, vector<1x16xf32>,
        %swap3A_245 = vector.shape_cast %swap3A_244 : vector<1x16xf32> to vector<16xf32>
        %swap3A_246 = vector.shape_cast %mul3A_241 : vector<16xf32> to vector<1x16xf32>
        tpu.vector_store %arg8[%swap3A_242, %swap3A_243], %swap3A_246 {strides = array<i32>} : memref<800x64xf32, #tpu.memory_space<vmem>>, vector<1x16xf32>,
        %get3A_247 = arith.index_cast %scan3A_222 : i32 to index
        %get3A_248 = arith.constant 32 : index
        %get3A_249 = tpu.vector_load %arg8[%get3A_247, %get3A_248] {strides = array<i32>} : memref<800x64xf32, #tpu.memory_space<vmem>>, vector<1x16xf32>,
        %get3A_250 = vector.shape_cast %get3A_249 : vector<1x16xf32> to vector<16xf32>
        %mul3A_251 = arith.constant 8.000000e+00 : f32
        %mul3A_252 = vector.broadcast %mul3A_251 : f32 to vector<16xf32>
        %mul3A_253 = arith.mulf %get3A_250, %mul3A_252 : vector<16xf32>
        %swap3A_254 = arith.index_cast %scan3A_222 : i32 to index
        %swap3A_255 = arith.constant 32 : index
        %swap3A_256 = tpu.vector_load %arg8[%swap3A_254, %swap3A_255] {strides = array<i32>} : memref<800x64xf32, #tpu.memory_space<vmem>>, vector<1x16xf32>,
        %swap3A_257 = vector.shape_cast %swap3A_256 : vector<1x16xf32> to vector<16xf32>
        %swap3A_258 = vector.shape_cast %mul3A_253 : vector<16xf32> to vector<1x16xf32>
        tpu.vector_store %arg8[%swap3A_254, %swap3A_255], %swap3A_258 {strides = array<i32>} : memref<800x64xf32, #tpu.memory_space<vmem>>, vector<1x16xf32>,
        %get3A_259 = arith.index_cast %scan3A_222 : i32 to index
        %get3A_260 = arith.constant 48 : index
        %get3A_261 = tpu.vector_load %arg8[%get3A_259, %get3A_260] {strides = array<i32>} : memref<800x64xf32, #tpu.memory_space<vmem>>, vector<1x16xf32>,
        %get3A_262 = vector.shape_cast %get3A_261 : vector<1x16xf32> to vector<16xf32>
        %mul3A_263 = arith.constant 8.000000e+00 : f32
        %mul3A_264 = vector.broadcast %mul3A_263 : f32 to vector<16xf32>
        %mul3A_265 = arith.mulf %get3A_262, %mul3A_264 : vector<16xf32>
        %swap3A_266 = arith.index_cast %scan3A_222 : i32 to index
        %swap3A_267 = arith.constant 48 : index
        %swap3A_268 = tpu.vector_load %arg8[%swap3A_266, %swap3A_267] {strides = array<i32>} : memref<800x64xf32, #tpu.memory_space<vmem>>, vector<1x16xf32>,
        %swap3A_269 = vector.shape_cast %swap3A_268 : vector<1x16xf32> to vector<16xf32>
        %swap3A_270 = vector.shape_cast %mul3A_265 : vector<16xf32> to vector<1x16xf32>
        tpu.vector_store %arg8[%swap3A_266, %swap3A_267], %swap3A_270 {strides = array<i32>} : memref<800x64xf32, #tpu.memory_space<vmem>>, vector<1x16xf32>,
      }
      %scan3A_66 = arith.constant 800 : i32
      %mul3A_67 = arith.constant 800 : i32
      %mul3A_68 = arith.muli %add3A_53, %mul3A_67 : i32
      %add3A_69 = arith.addi %mul3A_2, %mul3A_68 : i32
      %dma_start3A_70 = arith.constant 0 : i32
      %dma_start3A_71 = tpu.memref_slice %arg4[%add3A_69, %dma_start3A_70] : memref<1638400x64xf32, #tpu.memory_space<hbm>> -> memref<800x64xf32, #tpu.memory_space<hbm>>
      %dma_start3A_72 = arith.constant 0 : i32
      %dma_start3A_73 = tpu.memref_slice %arg4[%add3A_69, %dma_start3A_72] : memref<1638400x64xf32, #tpu.memory_space<hbm>> -> memref<800x64xf32, #tpu.memory_space<hbm>>
      tpu.enqueue_dma source(%arg8 : memref<800x64xf32, #tpu.memory_space<vmem>>) target(%dma_start3A_73 : memref<800x64xf32, #tpu.memory_space<hbm>>) target_semaphore(%arg12 : memref<!tpu.dma_semaphore, #tpu.memory_space<semaphore_mem>>)
    }
    %scan3A_11 = arith.constant 32 : i32
    %dma_wait3A = arith.constant 0 : i32
    %dma_wait3A_12 = tpu.memref_slice %arg4[%mul3A_2, %dma_wait3A] : memref<1638400x64xf32, #tpu.memory_space<hbm>> -> memref<800x64xf32, #tpu.memory_space<hbm>>
    %dma_wait3A_13 = arith.constant 0 : i32
    %dma_wait3A_14 = tpu.memref_slice %arg4[%mul3A_2, %dma_wait3A_13] : memref<1638400x64xf32, #tpu.memory_space<hbm>> -> memref<800x64xf32, #tpu.memory_space<hbm>>
    tpu.wait_dma2 semaphore(%arg11 : memref<!tpu.dma_semaphore, #tpu.memory_space<semaphore_mem>>) src(%arg7 : memref<800x64xf32, #tpu.memory_space<vmem>>) dst(%dma_wait3A_14 : memref<800x64xf32, #tpu.memory_space<hbm>>)
    %dma_wait3A_15 = arith.constant 0 : i32
    %dma_wait3A_16 = tpu.memref_slice %arg4[%mul3A_2, %dma_wait3A_15] : memref<1638400x64xf32, #tpu.memory_space<hbm>> -> memref<800x64xf32, #tpu.memory_space<hbm>>
    %dma_wait3A_17 = arith.constant 0 : i32
    %dma_wait3A_18 = tpu.memref_slice %arg4[%mul3A_2, %dma_wait3A_17] : memref<1638400x64xf32, #tpu.memory_space<hbm>> -> memref<800x64xf32, #tpu.memory_space<hbm>>
    tpu.wait_dma2 semaphore(%arg12 : memref<!tpu.dma_semaphore, #tpu.memory_space<semaphore_mem>>) src(%arg8 : memref<800x64xf32, #tpu.memory_space<vmem>>) dst(%dma_wait3A_18 : memref<800x64xf32, #tpu.memory_space<hbm>>)
    return
  }
}

</mosaic_0001>

<sc_bundles>
// kernel: kernel.4.cloned.1.call-start
scs
__scs_entry_jumppad:
0x0: {  	(pc) =	sbr.rel $0x88, $3  }
0x1: {  	(tag) =	ssettag $0x0;
	lr =	simm.s32 $0x1  }
0x2: {  	[smem:$0x3F9F] =	sst lr;
	_ =	strace $0xD0000000  }
0x3: {  	_ = 	snop  }
0x4: {  	_ = 	snop  }
0x5: {  	_ = 	snop  }
0x6: {  	_ = 	snop  }
0x7: {  	_ = 	snop  }
__scs_overlays_trampoline_lowered:
0x8: {  	[smem:$0x3FAE] =	sst s0  }
0x9: {  	[smem:$0x3FAF] =	sst s1  }
0xa: {  	[smem:$0x3FB0] =	sst s2  }
0xb: {  	[smem:$0x3FB1] =	sst s3  }
0xc: {  	[smem:$0x3FB2] =	sst s4  }
0xd: {  	[smem:$0x3FB3] =	sst s5  }
0xe: {  	[smem:$0x3FB4] =	sst s6  }
0xf: {  	[smem:$0x3FB5] =	sst s7  }
0x10: {  	[smem:$0x3FB6] =	sst s8  }
0x11: {  	[smem:$0x3FB7] =	sst s9;
	s0 =	simm.s32 @!p0 $0x0  }
0x12: {  	s1 =	sld [smem:$0x3F9D];
	s0 =	simm.s32 @p0 $0x1  }
0x13: {  	[smem:$0x3FB8] =	sst s0;
	s0 =	simm.s32 @!p1 $0x0  }
0x14: {  	s2 =	sld [smem:$0x3F9C];
	s0 =	simm.s32 @p1 $0x1  }
0x15: {  	[smem:$0x3FB9] =	sst s0;
	s0 =	simm.s32 @!p2 $0x0  }
0x16: {  	s3 =	sld [smem:$0x3FDB];
	s0 =	simm.s32 @p2 $0x1  }
0x17: {  	s4 =	simm.s32 $0x1BF5;
	[smem:$0x3FBB] =	sst s0  }
0x18: {  	s0 =	sld [smem:$0x3F9E];
	_ =	swait.ge [sflag:s4], $0x0  }
0x19: {  	s7 =	sld [smem:$0x3F9F]  }
0x1a: {  	s8 =	sadd.s32 $0xFFFFE003, lr  }
0x1b: {  	s9 =	sadd.s32 $0xFFFFFEF7, lr;
	s5 =	simm.s32 $0xFFFFFFFF;
	p2 =	slt.u32 s8, $0xFFFFF086  }
0x1c: {  	p1 =	slt.u32 s9, $0xF7A;
	s5 =	simm.s32 @!p2 $0x0  }
0x1d: {  	s5 =	simm.s32 @p1 $0x1;
	p0 =	seq.s32 s7, s2  }
0x1e: {  	s7 =	smul.u32 @!p0 $0xF7A, s2;
	p2 =	seq.s32 @!p0 s5, $0x0  }
0x1f: {  	s9 =	smul.u32 $0xF7A, s1;
	s8 =	simm.s32 @!p0 $0x1BF5;
	p2 =	por !p2, p0  }
0x20: {  	[sflag:s8] =	ssyncset.s32 @!p0 $0xFFFFF086;
	s6 =	sadd.s32 @!p0 s3, s7;
	s7 =	simm.s32 @!p0 $0x108  }
0x21: {  	s3 =	sadd.s32 s3, s9;
	s6 =	sadd.s32 @!p0 $0x88, s6;
	s7 =	simm.s32 @p2 $0x1082  }
0x22: {  	[simem:s7], [sflag:s8] =	dma.local @!p0 [hbm:s6], $0xF7A  }
0x23: {  	s9 =	sor.u32 $0xD0000000, s2;
	s6 =	simm.s32 $0x108;
	_ =	swait.ge @!p0 [sflag:s8], $0x0  }
0x24: {  	s3 =	sadd.s32 $0x88, s3;
	s6 =	simm.s32 @!p1 $0x1082;
	[sflag:s4] =	ssyncset.s32 $0xFFFFF086  }
0x25: {  	[simem:s6], [sflag:s4] =	dma.local [hbm:s3], $0xF7A  }
0x26: {  	[smem:$0x3F9F] =	sst s1;
	(tag) =	ssettag s2;
	_ =	strace s9  }
0x27: {  	s1 =	sld [smem:$0x3FAF]  }
0x28: {  	s2 =	sld [smem:$0x3FB0]  }
0x29: {  	s4 =	sld [smem:$0x3FB2]  }
0x2a: {  	p0 =	seq.s32 s5, $0x0;
	s5 =	sld [smem:$0x3FB3]  }
0x2b: {  	s6 =	sld [smem:$0x3FB4]  }
0x2c: {  	s7 =	sld [smem:$0x3FB5]  }
0x2d: {  	s3 =	simm.s32 $0x108;
	s8 =	sld [smem:$0x3FB6]  }
0x2e: {  	s3 =	simm.s32 @!p0 $0x1082;
	s9 =	sld [smem:$0x3FB7]  }
0x2f: {  	lr =	sadd.s32 s0, s3;
	s0 =	sld [smem:$0x3FAE]  }
0x30: {  	s3 =	sld [smem:$0x3FB1]  }
0x31: {  	[smem:$0x3FBA] =	sst s10  }
0x32: {  	s10 =	sld [smem:$0x3FB8];
	_ =	sdelay $0x3  }
0x33: {  	p0 =	seq.s32 s10, $0x1;
	s10 =	sld [smem:$0x3FBA];
	_ =	sdelay $0x3  }
0x34: {  	[smem:$0x3FBA] =	sst s10  }
0x35: {  	s10 =	sld [smem:$0x3FB9];
	_ =	sdelay $0x3  }
0x36: {  	p1 =	seq.s32 s10, $0x1;
	s10 =	sld [smem:$0x3FBA];
	_ =	sdelay $0x3  }
0x37: {  	[smem:$0x3FBA] =	sst s10  }
0x38: {  	s10 =	sld [smem:$0x3FBB]  }
0x39: {  	_ = 	snop;
	(pc) =	sbr.ind lr, $3  }
0x3a: {  	_ = 	snop  }
0x3b: {  	_ = 	snop  }
0x3c: {  	p2 =	seq.s32 s10, $0x1;
	s10 =	sld [smem:$0x3FBA]  }
0x3d: {  	_ =	shalt  }
0x3e: {  	_ =	shalt  }
0x3f: {  	_ =	shalt  }
0x40: {  	_ =	shalt  }
0x41: {  	_ =	shalt  }
0x42: {  	_ =	shalt  }
0x43: {  	_ =	shalt  }
0x44: {  	_ =	shalt  }
0x45: {  	_ =	shalt  }
0x46: {  	_ =	shalt  }
0x47: {  	_ =	shalt  }
0x48: {  	_ =	shalt  }
0x49: {  	_ =	shalt  }
0x4a: {  	_ =	shalt  }
0x4b: {  	_ =	shalt  }
0x4c: {  	_ =	shalt  }
0x4d: {  	_ =	shalt  }
0x4e: {  	_ =	shalt  }
0x4f: {  	_ =	shalt  }
0x50: {  	_ =	shalt  }
0x51: {  	_ =	shalt  }
0x52: {  	_ =	shalt  }
0x53: {  	_ =	shalt  }
0x54: {  	_ =	shalt  }
0x55: {  	_ =	shalt  }
0x56: {  	_ =	shalt  }
0x57: {  	_ =	shalt  }
0x58: {  	_ =	shalt  }
0x59: {  	_ =	shalt  }
0x5a: {  	_ =	shalt  }
0x5b: {  	_ =	shalt  }
0x5c: {  	_ =	shalt  }
0x5d: {  	_ =	shalt  }
0x5e: {  	_ =	shalt  }
0x5f: {  	_ =	shalt  }
0x60: {  	_ =	shalt  }
0x61: {  	_ =	shalt  }
0x62: {  	_ =	shalt  }
0x63: {  	_ =	shalt  }
0x64: {  	_ =	shalt  }
0x65: {  	_ =	shalt  }
0x66: {  	_ =	shalt  }
0x67: {  	_ =	shalt  }
0x68: {  	_ =	shalt  }
0x69: {  	_ =	shalt  }
0x6a: {  	_ =	shalt  }
0x6b: {  	_ =	shalt  }
0x6c: {  	_ =	shalt  }
0x6d: {  	_ =	shalt  }
0x6e: {  	_ =	shalt  }
0x6f: {  	_ =	shalt  }
0x70: {  	_ =	shalt  }
0x71: {  	_ =	shalt  }
0x72: {  	_ =	shalt  }
0x73: {  	_ =	shalt  }
0x74: {  	_ =	shalt  }
0x75: {  	_ =	shalt  }
0x76: {  	_ =	shalt  }
0x77: {  	_ =	shalt  }
0x78: {  	_ =	shalt  }
0x79: {  	_ =	shalt  }
0x7a: {  	_ =	shalt  }
0x7b: {  	_ =	shalt  }
0x7c: {  	_ =	shalt  }
0x7d: {  	_ =	shalt  }
0x7e: {  	_ =	shalt  }
0x7f: {  	_ =	shalt  }
0x80: {  	_ =	shalt  }
0x81: {  	_ =	shalt  }
0x82: {  	_ =	shalt  }
0x83: {  	_ =	shalt  }
0x84: {  	_ =	shalt  }
0x85: {  	_ =	shalt  }
0x86: {  	_ =	shalt  }
0x87: {  	_ =	shalt  }
.Lfunc_end0:
.L_simem_size_0:
called_computation.2_lowered:
.L_overlay_start_0:
0x88: {  	s2 =	sld [smem:$0x3FD9]  }
0x89: {  	s3 =	sld [smem:$0x3FFE];
	_ =	sdelay $0x1  }
0x8a: {  	s1 =	srdreg.scid  }
0x8b: {  	s0 =	sand.u32 $0x1, s1  }
0x8c: {  	s17 =	sshll.u32 s0, $0xA;
	s2 =	sadd.s32 s3, s2  }
0x8d: {  	s2 =	sadd.s32 s2, s17  }
0x8e: {  	[smem:$0x3FC6] =	sst s2  }
0x8f: {  	_ = 	snop  }
0x90: {  	(tm) =	ssettm $0x1  }
0x91: {  	s18 =	sld [smem:$0x3FFB];
	_ =	sdelay $0x3  }
0x92: {  	_ =	strace s18  }
0x93: {  	s2 =	sld [smem:$0x3FFC];
	_ =	sdelay $0x3  }
0x94: {  	_ =	strace s2  }
0x95: {  	s2 =	sld [smem:$0x3FFD];
	_ =	sdelay $0x3  }
0x96: {  	_ =	strace s2  }
0x97: {  	_ =	strace $0x8FFFFFFF  }
0x98: {  	s19 =	sld [smem:$0x3FDB];
	_ =	sdelay $0x1  }
0x99: {  	s20 =	simm.s32 $_scs_section_size  }
0x9a: {  	s4 =	simm.s32 $_size__tile_overlayer_lowered;
	s5 =	simm.s32 $_tile_overlayer_lowered  }
0x9b: {  	s6 =	simm.s32 $0x1BFF;
	s21 =	sshll.u32 s5, $0x1;
	s3 =	sadd.s32 s20, s19  }
0x9c: {  	s22 =	simm.s32 $0x0;
	s4 =	sshll.u32 s4, $0x1;
	s5 =	sadd.s32 s21, s3  }
0x9d: {  	[timem:s22], [sflag:s6] =	dma.local [hbm:s5], s4  }
0x9e: {  	_ =	swait.ge [sflag:s6], s4  }
0x9f: {  	s4 =	ssub.s32 $0x0, s4;
	[sflag:s6] =	ssyncset.done $0x0  }
0xa0: {  	[sflag:s6] =	ssyncadd.s32 s4;
	_ =	sdelay $0x1  }
0xa1: {  	s23 =	simm.s32 $0x1B8B  }
0xa2: {  	_ =	swait.ge [sflag:s23], $0x1  }
0xa3: {  	[sflag:s23] =	ssyncset.done $0x0  }
0xa4: {  	[sflag:s23] =	ssyncadd.s32 $0xFFFFFFFF  }
0xa5: {  	s4 =	sld [smem:$0x0]  }
0xa6: {  	s5 =	sand.u32 $0xFFFFFFFE, s1  }
0xa7: {  	p0 =	sne.s32 s1, s5  }
0xa8: {  	s5 =	sshll.u32 @p0 s5, $0xE  }
0xa9: {  	s5 =	sadd.s32 @p0 $0x11B8D, s5;
	s6 =	sshll.u32 @p0 s4, $0x11  }
0xaa: {  	s5 =	sor.u32 @p0 s6, s5  }
0xab: {  	[sflag:s5] =	ssyncadd.remote.s32 @p0 $0x1;
	_ =	sdelay $0x1  }
0xac: {  	s5 =	simm.s32 @p0 $0x1B8D  }
0xad: {  	_ =	swait.eq @p0 [sflag:s5], $0x1  }
0xae: {  	[sflag:s5] =	ssyncadd.s32 @p0 $0xFFFFFFFF  }
0xaf: {  	s6 =	sshll.u32 @!p0 s1, $0xE  }
0xb0: {  	s6 =	sor.u32 @!p0 $0x4000, s6;
	s5 =	simm.s32 @!p0 $0x1B8D  }
0xb1: {  	s4 =	sshll.u32 @!p0 s4, $0x11;
	s6 =	sadd.s32 @!p0 $0x11B8D, s6;
	_ =	swait.eq @!p0 [sflag:s5], $0x1  }
0xb2: {  	s4 =	sor.u32 @!p0 s4, s6;
	[sflag:s5] =	ssyncadd.s32 @!p0 $0xFFFFFFFF  }
0xb3: {  	s25 =	simm.s32 $0x1B8E;
	s24 =	sld [smem:$0x3FFE];
	[sflag:s4] =	ssyncadd.remote.s32 @!p0 $0x1  }
0xb4: {  	s26 =	simm.s32 $execute0_lowered;
	[smem:$0x3FD2] =	sst s25  }
0xb5: {  	s5 =	sshll.u32 s26, $0x1;
	_ =	strace $0x80000049;
	[dreg:$0x1] =	wrdreg $0xFFFFFFFF  }
0xb6: {  	s28 =	simm.s32 $_size_execute0_lowered;
	s3 =	sadd.s32 s3, s5;
	[dreg:$0x0] =	wrdreg $0x0  }
0xb7: {  	s5 =	sshll.u32 s28, $0x1;
	[dreg:$0x2] =	wrdreg s3  }
0xb8: {  	[dreg:$0x3] =	wrdreg s5  }
0xb9: {  	[dreg:$0x4] =	wrdreg $0xC0  }
0xba: {  	_ =	task [dreg:s22], $0x5FFFF  }
0xbb: {  	[dreg:$0x1] =	wrdreg $0xFFFFFFFF  }
0xbc: {  	[dreg:$0x0] =	wrdreg $0x60  }
0xbd: {  	[dreg:$0x2] =	wrdreg s24  }
0xbe: {  	[dreg:$0x3] =	wrdreg $0xA  }
0xbf: {  	_ =	task.clear_ibuf [dreg:s22], $0x4FFFF;
	_ =	strace $0x90000049  }
0xc0: {  	s29 =	simm.s32 $0xA;
	_ =	strace $0x8000004B  }
0xc1: {  	_ =	swait.ge [sflag:s29], $0x1  }
0xc2: {  	[sflag:s29] =	ssyncadd.s32 $0xFFFFFFFF  }
0xc3: {  	_ =	strace $0x9000004B  }
0xc4: {  	_ =	sfence  }
0xc5: {  	s30 =	sld [smem:$0x0];
	_ =	sdelay $0x2  }
0xc6: {  	s31 =	sshll.u32 s1, $0xD;
	s1 =	sshrl.u32 s1, $0x2  }
0xc7: {  	s4 =	sand.u32 $0x4000, s31;
	s1 =	sadd.s32 s1, s30  }
0xc8: {  	s0 =	sor.u32 s4, s0;
	s1 =	sshll.u32 s1, $0x11  }
0xc9: {  	s0 =	sor.u32 s1, s0  }
0xca: {  	s0 =	sadd.s32 $0x8F2B, s0  }
0xcb: {  	[sflag:s0] =	ssyncadd.remote.s32 $0x1  }
0xcc: {  	_ =	sfence.sel $0xFFFF  }
0xcd: {  	[dreg:$0x0] =	wrdreg $0xFFFFFFFF;
	(pc) =	sbr.abs _section_cstart, $3  }
0xce: {  	[dreg:$0x1] =	wrdreg $0xFFFFFFFF  }
0xcf: {  	_ =	task.clear_ibuf [dreg:s22], $0x2FFFF;
	_ =	strace $0x9FFFFFFF  }
0xd0: {  	(tm) =	ssettm $0x7FFFFFFF  }
0xd1: {  	_ =	shalt  }
tec
execute0_lowered:
.L_overlay_start_1:
0x0: {  	(tag) =	ssettag $0x1  }
0x1: {  	s1 =	srdreg.scid  }
0x2: {  	s0 =	stileid.u32;
	s6 =	rddreg [dreg:$0x0];
	s2 =	simm.s32 $0x0  }
0x3: {  	s11 =	simm.s32 $0x5;
	s12 =	simm.s32 $0x320;
	s13 =	simm.s32 $0x640  }
0x4: {  	s14 =	simm.s32 $0x1;
	s15 =	simm.s32 $0xCE40;
	s16 =	simm.s32 $0x2  }
0x5: {  	s17 =	simm.s32 $0x3;
	s18 =	simm.s32 $0x4;
	s19 =	simm.s32 $0x0  }
0x6: {  	s5 =	sand.u32 $0x1, s1;
	s3 =	sshll.u32 s0, $0x1;
	s1 =	rddreg [dreg:$0x1]  }
0x7: {  	[smem:$0x7FF] =	sst s2;
	s4 =	sadd.s32 $0x33400, s6;
	s3 =	sor.u32 s5, s3  }
0x8: {  	_ =	strace $0x8000004A;
	s7 =	ssub.s32 $0x2, s5;
	s3 =	smul.u32 $0xC800, s3  }
0x9: {  	s5 =	sadd.s32 $0x1454600, s6;
	s6 =	sadd.s32 $0x1486600, s6;
	s8 =	sshrl.u32 s7, $0x1  }
0xa: {  	s10 =	ssub.s32 s7, s8;
	s9 =	sshrl.u32 s3, $0x3;
	s8 =	sor.u32 $0x320, s3  }
0xb: {  	s10 =	smax.u32 s10, $0x1;
	s7 =	sadd.s32 s5, s9;
	s9 =	sor.u32 $0x640, s3  }
.LBB2_1:
0xc: {  	[tilespmem:s2], [sflag:$0x5] =	stream.linear.gather [hbm4b:s7+s2], $0x320, $0x38;
	[tilespmem:$0x19640] =	vst v63  }
0xd: {  	_ =	swait.ge [sflag:s11], $0x320  }
0xe: {  	[sflag:s11] =	ssyncset.done $0x0  }
0xf: {  	s20 =	simm.s32 $0x0;
	[sflag:s11] =	ssyncadd.s32 $0xFFFFFCE0  }
0x10: {  	[tilespmem:s13], [sflag:$0x1] =	stream.indirect.gather [hbm4b:s4+s12], $0x40, s2, s12, $0xb8;
	[tilespmem:$0x19640] =	vst v63  }
.LBB2_2:
0x11: {  	_ =	swait.ge [sflag:s14], $0xC800  }
0x12: {  	p0 =	seq.s32 s20, $0x0;
	s22 =	smul.u32 $0x640, s20;
	[sflag:s14] =	ssyncset.done $0x0  }
0x13: {  	s23 =	simm.s32 @!p0 $0x4;
	[sflag:s14] =	ssyncadd.s32 $0xFFFF3800  }
0x14: {  	s21 =	sadd.s32 s22, s8;
	_ =	swait.ge @!p0 [sflag:s23], $0xC800  }
0x15: {  	s24 =	sshrl.u32 s21, $0x3;
	[sflag:s23] =	ssyncset.done @!p0 $0x0  }
0x16: {  	s31 =	sadd.s32 s5, s24;
	[sflag:s23] =	ssyncadd.s32 @!p0 $0xFFFF3800  }
0x17: {  	[tilespmem:s12], [sflag:$0x5] =	stream.linear.gather [hbm4b:s31+s2], $0x320, $0x38;
	[tilespmem:$0x19640] =	vst v63  }
0x18: {  	_ =	swait.ge [sflag:s11], $0x320  }
0x19: {  	[sflag:s11] =	ssyncset.done $0x0  }
0x1a: {  	s23 =	simm.s32 $0x6C0;
	[sflag:s11] =	ssyncadd.s32 $0xFFFFFCE0  }
0x1b: {  	[tilespmem:s15], [sflag:$0x2] =	stream.indirect.gather [hbm4b:s4+s12], $0x40, s12, s12, $0xb8;
	[tilespmem:$0x19640] =	vst v63  }
0x1c: {  	v0 =	vld [tilespmem:s23+$0xFFFFFF80]  }
0x1d: {  	v1 =	vld [tilespmem:s23+$0xFFFFFF90]  }
0x1e: {  	v2 =	vld [tilespmem:s23+$0xFFFFFFA0]  }
0x1f: {  	v3 =	vld [tilespmem:s23+$0xFFFFFFB0]  }
0x20: {  	v4 =	vld [tilespmem:s23+$0xFFFFFFC0]  }
0x21: {  	v5 =	vld [tilespmem:s23+$0xFFFFFFD0];
	v0 =	vmul.f32 $8.000000000e+00, v0  }
0x22: {  	v6 =	vld [tilespmem:s23+$0xFFFFFFE0];
	v1 =	vmul.f32 $8.000000000e+00, v1  }
0x23: {  	[tilespmem:s23+$0xFFFFFF80] =	vst v0;
	v0 =	vmul.f32 $8.000000000e+00, v2;
	v2 =	vld [tilespmem:s23+$0x0]  }
0x24: {  	[tilespmem:s23+$0xFFFFFF90] =	vst v1;
	v1 =	vmul.f32 $8.000000000e+00, v3;
	v3 =	vld [tilespmem:s23+$0x10]  }
0x25: {  	[tilespmem:s23+$0xFFFFFFA0] =	vst v0;
	v0 =	vmul.f32 $8.000000000e+00, v4;
	v4 =	vld [tilespmem:s23+$0x20]  }
0x26: {  	v7 =	vld [tilespmem:s23+$0x30];
	[tilespmem:s23+$0xFFFFFFB0] =	vst v1;
	v1 =	vmul.f32 $8.000000000e+00, v5  }
0x27: {  	v5 =	vmul.f32 $8.000000000e+00, v6;
	[tilespmem:s23+$0xFFFFFFC0] =	vst v0;
	v0 =	vld [tilespmem:s23+$0x40]  }
0x28: {  	[tilespmem:s23+$0xFFFFFFD0] =	vst v1;
	v1 =	vld [tilespmem:s23+$0x50];
	v2 =	vmul.f32 $8.000000000e+00, v2  }
0x29: {  	[tilespmem:s23+$0xFFFFFFE0] =	vst v5;
	v6 =	vmul.f32 $8.000000000e+00, v3;
	v3 =	vld [tilespmem:s23+$0x60]  }
0x2a: {  	[tilespmem:s23+$0x0] =	vst v2;
	v5 =	vmul.f32 $8.000000000e+00, v4;
	v4 =	vld [tilespmem:s23+$0x70]  }
0x2b: {  	s25 =	simm.s32 $0x7C0;
	s24 =	simm.s32 $0x0;
	v2 =	vld [tilespmem:s23+$0xFFFFFFF0];
	[tilespmem:s23+$0x10] =	vst v6;
	v6 =	vmul.f32 $8.000000000e+00, v7  }
.LBB2_3:
0x2c: {  	v7 =	vld [tilespmem:s25+$0xFFFFFF80];
	[tilespmem:s23+$0x20] =	vst v5;
	v0 =	vmul.f32 $8.000000000e+00, v0  }
0x2d: {  	v5 =	vld [tilespmem:s25+$0xFFFFFF90];
	[tilespmem:s23+$0x30] =	vst v6;
	v1 =	vmul.f32 $8.000000000e+00, v1  }
0x2e: {  	v6 =	vld [tilespmem:s25+$0xFFFFFFA0];
	[tilespmem:s23+$0x40] =	vst v0;
	v0 =	vmul.f32 $8.000000000e+00, v3  }
0x2f: {  	v3 =	vld [tilespmem:s25+$0xFFFFFFB0];
	[tilespmem:s23+$0x50] =	vst v1;
	v1 =	vmul.f32 $8.000000000e+00, v4  }
0x30: {  	v4 =	vld [tilespmem:s25+$0xFFFFFFC0];
	v2 =	vmul.f32 $8.000000000e+00, v2;
	[tilespmem:s23+$0x60] =	vst v0  }
0x31: {  	v0 =	vmul.f32 $8.000000000e+00, v7;
	v7 =	vld [tilespmem:s25+$0xFFFFFFD0];
	[tilespmem:s23+$0x70] =	vst v1  }
0x32: {  	v1 =	vmul.f32 $8.000000000e+00, v5;
	v5 =	vld [tilespmem:s25+$0xFFFFFFE0];
	[tilespmem:s23+$0xFFFFFFF0] =	vst v2;
	s23 =	smov.u32 s25  }
0x33: {  	[tilespmem:s25+$0xFFFFFF80] =	vst v0;
	v0 =	vmul.f32 $8.000000000e+00, v6;
	v2 =	vld [tilespmem:s25+$0x0]  }
0x34: {  	[tilespmem:s25+$0xFFFFFF90] =	vst v1;
	v1 =	vmul.f32 $8.000000000e+00, v3;
	v3 =	vld [tilespmem:s25+$0x10]  }
0x35: {  	s24 =	sadd.s32 $0x4, s24;
	[tilespmem:s25+$0xFFFFFFA0] =	vst v0;
	v0 =	vmul.f32 $8.000000000e+00, v4;
	v4 =	vld [tilespmem:s25+$0x20]  }
0x36: {  	p0 =	slt.u32 s24, $0x31C;
	[tilespmem:s25+$0xFFFFFFB0] =	vst v1;
	v1 =	vmul.f32 $8.000000000e+00, v7;
	v6 =	vld [tilespmem:s25+$0x30]  }
.Ltmp0:
0x37: {  	[tilespmem:s25+$0xFFFFFFC0] =	vst v0;
	v5 =	vmul.f32 $8.000000000e+00, v5;
	v0 =	vld [tilespmem:s25+$0x40];
	(pc) =	sbr.rel @p0 .LBB2_3-.Ltmp0, $4  }
0x38: {  	[tilespmem:s25+$0xFFFFFFD0] =	vst v1;
	v2 =	vmul.f32 $8.000000000e+00, v2;
	v1 =	vld [tilespmem:s25+$0x50]  }
0x39: {  	[tilespmem:s25+$0xFFFFFFE0] =	vst v5;
	v7 =	vmul.f32 $8.000000000e+00, v3;
	v3 =	vld [tilespmem:s25+$0x60]  }
0x3a: {  	[tilespmem:s25+$0x0] =	vst v2;
	v5 =	vmul.f32 $8.000000000e+00, v4;
	v4 =	vld [tilespmem:s25+$0x70]  }
0x3b: {  	s25 =	sadd.s32 $0x100, s25;
	v2 =	vld [tilespmem:s23+$0xFFFFFFF0];
	[tilespmem:s23+$0x10] =	vst v7;
	v6 =	vmul.f32 $8.000000000e+00, v6  }
0x3c: {  	[tilespmem:s23+$0x20] =	vst v5;
	v0 =	vmul.f32 $8.000000000e+00, v0  }
0x3d: {  	[tilespmem:s23+$0x30] =	vst v6;
	v1 =	vmul.f32 $8.000000000e+00, v1  }
0x3e: {  	[tilespmem:s23+$0x40] =	vst v0;
	v0 =	vmul.f32 $8.000000000e+00, v3  }
0x3f: {  	[tilespmem:s23+$0x50] =	vst v1;
	v1 =	vmul.f32 $8.000000000e+00, v4  }
0x40: {  	s24 =	sadd.s32 s3, s22;
	v2 =	vmul.f32 $8.000000000e+00, v2;
	[tilespmem:s23+$0x60] =	vst v0  }
0x41: {  	s24 =	sshll.u32 s24, $0x3;
	[tilespmem:s23+$0x70] =	vst v1  }
0x42: {  	s31 =	sadd.s32 s6, s24;
	[tilespmem:s23+$0xFFFFFFF0] =	vst v2  }
0x43: {  	[hbm4b:s31+s2] =	stream.linear.scatter [tilespmem:s13], [sflag:$0x3], $0xC800, $0x38;
	[tilespmem:$0x19640] =	vst v63  }
0x44: {  	_ =	swait.ge [sflag:s16], $0xC800  }
0x45: {  	p0 =	seq.s32 s20, $0x1F;
	[sflag:s16] =	ssyncset.done $0x0  }
0x46: {  	s23 =	simm.s32 @!p0 $0x3;
	[sflag:s16] =	ssyncadd.s32 $0xFFFF3800  }
0x47: {  	s22 =	sadd.s32 @!p0 s22, s9;
	_ =	swait.ge @!p0 [sflag:s23], $0xC800  }
0x48: {  	s22 =	sshrl.u32 @!p0 s22, $0x3;
	[sflag:s23] =	ssyncset.done @!p0 $0x0  }
0x49: {  	s22 =	sadd.s32 @!p0 s5, s22;
	[sflag:s23] =	ssyncadd.s32 @!p0 $0xFFFF3800;
	s23 =	simm.s32 @!p0 $0x0  }
0x4a: {  	[tilespmem:s23], [sflag:$0x5] =	stream.linear.gather @!p0 [hbm4b:s22+s23], $0x320, $0x38;
	[tilespmem:$0x19640] =	vst v63  }
0x4b: {  	s22 =	simm.s32 @!p0 $0x5  }
0x4c: {  	_ =	swait.ge @!p0 [sflag:s22], $0x320  }
0x4d: {  	[sflag:s22] =	ssyncset.done @!p0 $0x0  }
0x4e: {  	s24 =	simm.s32 @!p0 $0x640;
	[sflag:s22] =	ssyncadd.s32 @!p0 $0xFFFFFCE0;
	s22 =	simm.s32 @!p0 $0x320  }
0x4f: {  	[tilespmem:s24], [sflag:$0x1] =	stream.indirect.gather @!p0 [hbm4b:s4+s22], $0x40, s23, s22, $0xb8;
	[tilespmem:$0x19640] =	vst v63  }
0x50: {  	s22 =	simm.s32 $0xCEC0  }
0x51: {  	v0 =	vld [tilespmem:s22+$0xFFFFFF80]  }
0x52: {  	v1 =	vld [tilespmem:s22+$0xFFFFFF90]  }
0x53: {  	v2 =	vld [tilespmem:s22+$0xFFFFFFA0]  }
0x54: {  	v3 =	vld [tilespmem:s22+$0xFFFFFFB0]  }
0x55: {  	v4 =	vld [tilespmem:s22+$0xFFFFFFC0]  }
0x56: {  	v5 =	vld [tilespmem:s22+$0xFFFFFFD0];
	v0 =	vmul.f32 $8.000000000e+00, v0  }
0x57: {  	v6 =	vld [tilespmem:s22+$0xFFFFFFE0];
	v1 =	vmul.f32 $8.000000000e+00, v1  }
0x58: {  	[tilespmem:s22+$0xFFFFFF80] =	vst v0;
	v0 =	vmul.f32 $8.000000000e+00, v2;
	v2 =	vld [tilespmem:s22+$0x0]  }
0x59: {  	[tilespmem:s22+$0xFFFFFF90] =	vst v1;
	v1 =	vmul.f32 $8.000000000e+00, v3;
	v3 =	vld [tilespmem:s22+$0x10]  }
0x5a: {  	[tilespmem:s22+$0xFFFFFFA0] =	vst v0;
	v0 =	vmul.f32 $8.000000000e+00, v4;
	v4 =	vld [tilespmem:s22+$0x20]  }
0x5b: {  	v7 =	vld [tilespmem:s22+$0x30];
	[tilespmem:s22+$0xFFFFFFB0] =	vst v1;
	v1 =	vmul.f32 $8.000000000e+00, v5  }
0x5c: {  	v5 =	vmul.f32 $8.000000000e+00, v6;
	[tilespmem:s22+$0xFFFFFFC0] =	vst v0;
	v0 =	vld [tilespmem:s22+$0x40]  }
0x5d: {  	[tilespmem:s22+$0xFFFFFFD0] =	vst v1;
	v1 =	vld [tilespmem:s22+$0x50];
	v2 =	vmul.f32 $8.000000000e+00, v2  }
0x5e: {  	[tilespmem:s22+$0xFFFFFFE0] =	vst v5;
	v6 =	vmul.f32 $8.000000000e+00, v3;
	v3 =	vld [tilespmem:s22+$0x60]  }
0x5f: {  	[tilespmem:s22+$0x0] =	vst v2;
	v5 =	vmul.f32 $8.000000000e+00, v4;
	v4 =	vld [tilespmem:s22+$0x70]  }
0x60: {  	s23 =	simm.s32 $0x0;
	s24 =	simm.s32 $0xCFC0;
	v2 =	vld [tilespmem:s22+$0xFFFFFFF0];
	[tilespmem:s22+$0x10] =	vst v6;
	v6 =	vmul.f32 $8.000000000e+00, v7  }
.LBB2_5:
0x61: {  	v7 =	vld [tilespmem:s24+$0xFFFFFF80];
	[tilespmem:s22+$0x20] =	vst v5;
	v0 =	vmul.f32 $8.000000000e+00, v0  }
0x62: {  	v5 =	vld [tilespmem:s24+$0xFFFFFF90];
	[tilespmem:s22+$0x30] =	vst v6;
	v1 =	vmul.f32 $8.000000000e+00, v1  }
0x63: {  	v6 =	vld [tilespmem:s24+$0xFFFFFFA0];
	[tilespmem:s22+$0x40] =	vst v0;
	v0 =	vmul.f32 $8.000000000e+00, v3  }
0x64: {  	v3 =	vld [tilespmem:s24+$0xFFFFFFB0];
	[tilespmem:s22+$0x50] =	vst v1;
	v1 =	vmul.f32 $8.000000000e+00, v4  }
0x65: {  	v4 =	vld [tilespmem:s24+$0xFFFFFFC0];
	v2 =	vmul.f32 $8.000000000e+00, v2;
	[tilespmem:s22+$0x60] =	vst v0  }
0x66: {  	v0 =	vmul.f32 $8.000000000e+00, v7;
	v7 =	vld [tilespmem:s24+$0xFFFFFFD0];
	[tilespmem:s22+$0x70] =	vst v1  }
0x67: {  	v1 =	vmul.f32 $8.000000000e+00, v5;
	v5 =	vld [tilespmem:s24+$0xFFFFFFE0];
	[tilespmem:s22+$0xFFFFFFF0] =	vst v2;
	s22 =	smov.u32 s24  }
0x68: {  	[tilespmem:s24+$0xFFFFFF80] =	vst v0;
	v0 =	vmul.f32 $8.000000000e+00, v6;
	v2 =	vld [tilespmem:s24+$0x0]  }
0x69: {  	[tilespmem:s24+$0xFFFFFF90] =	vst v1;
	v1 =	vmul.f32 $8.000000000e+00, v3;
	v3 =	vld [tilespmem:s24+$0x10]  }
0x6a: {  	s23 =	sadd.s32 $0x4, s23;
	[tilespmem:s24+$0xFFFFFFA0] =	vst v0;
	v0 =	vmul.f32 $8.000000000e+00, v4;
	v4 =	vld [tilespmem:s24+$0x20]  }
0x6b: {  	p0 =	slt.u32 s23, $0x31C;
	[tilespmem:s24+$0xFFFFFFB0] =	vst v1;
	v1 =	vmul.f32 $8.000000000e+00, v7;
	v6 =	vld [tilespmem:s24+$0x30]  }
.Ltmp1:
0x6c: {  	[tilespmem:s24+$0xFFFFFFC0] =	vst v0;
	v5 =	vmul.f32 $8.000000000e+00, v5;
	v0 =	vld [tilespmem:s24+$0x40];
	(pc) =	sbr.rel @p0 .LBB2_5-.Ltmp1, $4  }
0x6d: {  	[tilespmem:s24+$0xFFFFFFD0] =	vst v1;
	v2 =	vmul.f32 $8.000000000e+00, v2;
	v1 =	vld [tilespmem:s24+$0x50]  }
0x6e: {  	[tilespmem:s24+$0xFFFFFFE0] =	vst v5;
	v7 =	vmul.f32 $8.000000000e+00, v3;
	v3 =	vld [tilespmem:s24+$0x60]  }
0x6f: {  	[tilespmem:s24+$0x0] =	vst v2;
	v5 =	vmul.f32 $8.000000000e+00, v4;
	v4 =	vld [tilespmem:s24+$0x70]  }
0x70: {  	s24 =	sadd.s32 $0x100, s24;
	v2 =	vld [tilespmem:s22+$0xFFFFFFF0];
	[tilespmem:s22+$0x10] =	vst v7;
	v6 =	vmul.f32 $8.000000000e+00, v6  }
0x71: {  	[tilespmem:s22+$0x20] =	vst v5;
	v0 =	vmul.f32 $8.000000000e+00, v0  }
0x72: {  	s20 =	sadd.s32 $0x1, s20;
	[tilespmem:s22+$0x30] =	vst v6;
	v1 =	vmul.f32 $8.000000000e+00, v1  }
0x73: {  	p0 =	sne.s32 s20, $0x20;
	[tilespmem:s22+$0x40] =	vst v0;
	v62 =	vmul.f32 $8.000000000e+00, v3  }
.Ltmp2:
0x74: {  	[tilespmem:s22+$0x50] =	vst v1;
	v63 =	vmul.f32 $8.000000000e+00, v4;
	(pc) =	sbr.rel @p0 .LBB2_2-.Ltmp2, $4  }
0x75: {  	s21 =	sshll.u32 s21, $0x3;
	v2 =	vmul.f32 $8.000000000e+00, v2;
	[tilespmem:s22+$0x60] =	vst v62  }
0x76: {  	s21 =	sand.u32 $0x1FFFFF00, s21;
	[tilespmem:s22+$0x70] =	vst v63  }
0x77: {  	s21 =	sadd.s32 s6, s21;
	[tilespmem:s22+$0xFFFFFFF0] =	vst v2  }
0x78: {  	[hbm4b:s21+s2] =	stream.linear.scatter [tilespmem:s15], [sflag:$0x4], $0xC800, $0x38;
	[tilespmem:$0x19640] =	vst v63  }
0x79: {  	s19 =	sadd.s32 $0x1, s19  }
0x7a: {  	_ =	swait.ge [sflag:s17], $0xC800;
	p0 =	sne.s32 s19, s10  }
.Ltmp3:
0x7b: {  	[sflag:s17] =	ssyncset.done $0x0;
	(pc) =	sbr.rel @p0 .LBB2_1-.Ltmp3, $4  }
0x7c: {  	[sflag:s17] =	ssyncadd.s32 $0xFFFF3800  }
0x7d: {  	_ =	swait.ge [sflag:s18], $0xC800  }
0x7e: {  	[sflag:s18] =	ssyncset.done $0x0  }
0x7f: {  	[sflag:s18] =	ssyncadd.s32 $0xFFFF3800  }
0x80: {  	_ =	sfence.sel $0x180000  }
0x81: {  	[bflag:$0x0] =	sbarrier.arrive $0xFFFF  }
0x82: {  	p0 =	sne.s32 s0, $0x0;
	_ =	strace $0x9000004A  }
0x83: {  	s0 =	sadd.s32 @!p0 $0x100000, s1;
	[bflag:$0x2] =	sbarrier.arrive $0xFFFF  }
0x84: {  	[sflag:s0] =	ssyncadd.tile.s32 @!p0 $0x1;
	_ =	shalt  }
.Lfunc_end2:
_tile_overlayer_lowered:
.L_overlay_start_2:
0x85: {  	(tag) =	ssettag $0x2  }
0x86: {  	s0 =	rddreg [dreg:$0x0];
	s2 =	stileid.u32  }
0x87: {  	s1 =	rddreg [dreg:$0x1];
	p0 =	sne.s32 s2, $0x0  }
0x88: {  	s3 =	rddreg [dreg:$0x2];
	[bflag:$0x3] =	sbarrier.arrive $0xFFFF;
	s2 =	simm.s32 @!p0 $0x1C05  }
0x89: {  	[timem:s3], [sflag:s2] =	dma.local @!p0 [hbm:s0], s1  }
0x8a: {  	s0 =	simm.s32 @!p0 $0x5  }
0x8b: {  	_ =	swait.ge @!p0 [sflag:s0], s1  }
0x8c: {  	s1 =	ssub.s32 @!p0 $0x0, s1;
	[sflag:s0] =	ssyncset.done @!p0 $0x0  }
0x8d: {  	[sflag:s0] =	ssyncadd.s32 @!p0 s1  }
0x8e: {  	[bflag:$0x3] =	sbarrier.arrive $0xFFFF  }
0x8f: {  	_ =	shalt  }

// kernel: kernel.7.cloned.1.call-start
scs
__scs_entry_jumppad:
0x0: {  	(pc) =	sbr.rel $0x88, $3  }
0x1: {  	(tag) =	ssettag $0x0;
	lr =	simm.s32 $0x1  }
0x2: {  	[smem:$0x3F9F] =	sst lr;
	_ =	strace $0xD0000000  }
0x3: {  	_ = 	snop  }
0x4: {  	_ = 	snop  }
0x5: {  	_ = 	snop  }
0x6: {  	_ = 	snop  }
0x7: {  	_ = 	snop  }
__scs_overlays_trampoline_lowered:
0x8: {  	[smem:$0x3FAE] =	sst s0  }
0x9: {  	[smem:$0x3FAF] =	sst s1  }
0xa: {  	[smem:$0x3FB0] =	sst s2  }
0xb: {  	[smem:$0x3FB1] =	sst s3  }
0xc: {  	[smem:$0x3FB2] =	sst s4  }
0xd: {  	[smem:$0x3FB3] =	sst s5  }
0xe: {  	[smem:$0x3FB4] =	sst s6  }
0xf: {  	[smem:$0x3FB5] =	sst s7  }
0x10: {  	[smem:$0x3FB6] =	sst s8  }
0x11: {  	[smem:$0x3FB7] =	sst s9;
	s0 =	simm.s32 @!p0 $0x0  }
0x12: {  	s1 =	sld [smem:$0x3F9D];
	s0 =	simm.s32 @p0 $0x1  }
0x13: {  	[smem:$0x3FB8] =	sst s0;
	s0 =	simm.s32 @!p1 $0x0  }
0x14: {  	s2 =	sld [smem:$0x3F9C];
	s0 =	simm.s32 @p1 $0x1  }
0x15: {  	[smem:$0x3FB9] =	sst s0;
	s0 =	simm.s32 @!p2 $0x0  }
0x16: {  	s3 =	sld [smem:$0x3FDB];
	s0 =	simm.s32 @p2 $0x1  }
0x17: {  	s4 =	simm.s32 $0x1BF5;
	[smem:$0x3FBB] =	sst s0  }
0x18: {  	s0 =	sld [smem:$0x3F9E];
	_ =	swait.ge [sflag:s4], $0x0  }
0x19: {  	s7 =	sld [smem:$0x3F9F]  }
0x1a: {  	s8 =	sadd.s32 $0xFFFFE003, lr  }
0x1b: {  	s9 =	sadd.s32 $0xFFFFFEF7, lr;
	s5 =	simm.s32 $0xFFFFFFFF;
	p2 =	slt.u32 s8, $0xFFFFF086  }
0x1c: {  	p1 =	slt.u32 s9, $0xF7A;
	s5 =	simm.s32 @!p2 $0x0  }
0x1d: {  	s5 =	simm.s32 @p1 $0x1;
	p0 =	seq.s32 s7, s2  }
0x1e: {  	s7 =	smul.u32 @!p0 $0xF7A, s2;
	p2 =	seq.s32 @!p0 s5, $0x0  }
0x1f: {  	s9 =	smul.u32 $0xF7A, s1;
	s8 =	simm.s32 @!p0 $0x1BF5;
	p2 =	por !p2, p0  }
0x20: {  	[sflag:s8] =	ssyncset.s32 @!p0 $0xFFFFF086;
	s6 =	sadd.s32 @!p0 s3, s7;
	s7 =	simm.s32 @!p0 $0x108  }
0x21: {  	s3 =	sadd.s32 s3, s9;
	s6 =	sadd.s32 @!p0 $0x88, s6;
	s7 =	simm.s32 @p2 $0x1082  }
0x22: {  	[simem:s7], [sflag:s8] =	dma.local @!p0 [hbm:s6], $0xF7A  }
0x23: {  	s9 =	sor.u32 $0xD0000000, s2;
	s6 =	simm.s32 $0x108;
	_ =	swait.ge @!p0 [sflag:s8], $0x0  }
0x24: {  	s3 =	sadd.s32 $0x88, s3;
	s6 =	simm.s32 @!p1 $0x1082;
	[sflag:s4] =	ssyncset.s32 $0xFFFFF086  }
0x25: {  	[simem:s6], [sflag:s4] =	dma.local [hbm:s3], $0xF7A  }
0x26: {  	[smem:$0x3F9F] =	sst s1;
	(tag) =	ssettag s2;
	_ =	strace s9  }
0x27: {  	s1 =	sld [smem:$0x3FAF]  }
0x28: {  	s2 =	sld [smem:$0x3FB0]  }
0x29: {  	s4 =	sld [smem:$0x3FB2]  }
0x2a: {  	p0 =	seq.s32 s5, $0x0;
	s5 =	sld [smem:$0x3FB3]  }
0x2b: {  	s6 =	sld [smem:$0x3FB4]  }
0x2c: {  	s7 =	sld [smem:$0x3FB5]  }
0x2d: {  	s3 =	simm.s32 $0x108;
	s8 =	sld [smem:$0x3FB6]  }
0x2e: {  	s3 =	simm.s32 @!p0 $0x1082;
	s9 =	sld [smem:$0x3FB7]  }
0x2f: {  	lr =	sadd.s32 s0, s3;
	s0 =	sld [smem:$0x3FAE]  }
0x30: {  	s3 =	sld [smem:$0x3FB1]  }
0x31: {  	[smem:$0x3FBA] =	sst s10  }
0x32: {  	s10 =	sld [smem:$0x3FB8];
	_ =	sdelay $0x3  }
0x33: {  	p0 =	seq.s32 s10, $0x1;
	s10 =	sld [smem:$0x3FBA];
	_ =	sdelay $0x3  }
0x34: {  	[smem:$0x3FBA] =	sst s10  }
0x35: {  	s10 =	sld [smem:$0x3FB9];
	_ =	sdelay $0x3  }
0x36: {  	p1 =	seq.s32 s10, $0x1;
	s10 =	sld [smem:$0x3FBA];
	_ =	sdelay $0x3  }
0x37: {  	[smem:$0x3FBA] =	sst s10  }
0x38: {  	s10 =	sld [smem:$0x3FBB]  }
0x39: {  	_ = 	snop;
	(pc) =	sbr.ind lr, $3  }
0x3a: {  	_ = 	snop  }
0x3b: {  	_ = 	snop  }
0x3c: {  	p2 =	seq.s32 s10, $0x1;
	s10 =	sld [smem:$0x3FBA]  }
0x3d: {  	_ =	shalt  }
0x3e: {  	_ =	shalt  }
0x3f: {  	_ =	shalt  }
0x40: {  	_ =	shalt  }
0x41: {  	_ =	shalt  }
0x42: {  	_ =	shalt  }
0x43: {  	_ =	shalt  }
0x44: {  	_ =	shalt  }
0x45: {  	_ =	shalt  }
0x46: {  	_ =	shalt  }
0x47: {  	_ =	shalt  }
0x48: {  	_ =	shalt  }
0x49: {  	_ =	shalt  }
0x4a: {  	_ =	shalt  }
0x4b: {  	_ =	shalt  }
0x4c: {  	_ =	shalt  }
0x4d: {  	_ =	shalt  }
0x4e: {  	_ =	shalt  }
0x4f: {  	_ =	shalt  }
0x50: {  	_ =	shalt  }
0x51: {  	_ =	shalt  }
0x52: {  	_ =	shalt  }
0x53: {  	_ =	shalt  }
0x54: {  	_ =	shalt  }
0x55: {  	_ =	shalt  }
0x56: {  	_ =	shalt  }
0x57: {  	_ =	shalt  }
0x58: {  	_ =	shalt  }
0x59: {  	_ =	shalt  }
0x5a: {  	_ =	shalt  }
0x5b: {  	_ =	shalt  }
0x5c: {  	_ =	shalt  }
0x5d: {  	_ =	shalt  }
0x5e: {  	_ =	shalt  }
0x5f: {  	_ =	shalt  }
0x60: {  	_ =	shalt  }
0x61: {  	_ =	shalt  }
0x62: {  	_ =	shalt  }
0x63: {  	_ =	shalt  }
0x64: {  	_ =	shalt  }
0x65: {  	_ =	shalt  }
0x66: {  	_ =	shalt  }
0x67: {  	_ =	shalt  }
0x68: {  	_ =	shalt  }
0x69: {  	_ =	shalt  }
0x6a: {  	_ =	shalt  }
0x6b: {  	_ =	shalt  }
0x6c: {  	_ =	shalt  }
0x6d: {  	_ =	shalt  }
0x6e: {  	_ =	shalt  }
0x6f: {  	_ =	shalt  }
0x70: {  	_ =	shalt  }
0x71: {  	_ =	shalt  }
0x72: {  	_ =	shalt  }
0x73: {  	_ =	shalt  }
0x74: {  	_ =	shalt  }
0x75: {  	_ =	shalt  }
0x76: {  	_ =	shalt  }
0x77: {  	_ =	shalt  }
0x78: {  	_ =	shalt  }
0x79: {  	_ =	shalt  }
0x7a: {  	_ =	shalt  }
0x7b: {  	_ =	shalt  }
0x7c: {  	_ =	shalt  }
0x7d: {  	_ =	shalt  }
0x7e: {  	_ =	shalt  }
0x7f: {  	_ =	shalt  }
0x80: {  	_ =	shalt  }
0x81: {  	_ =	shalt  }
0x82: {  	_ =	shalt  }
0x83: {  	_ =	shalt  }
0x84: {  	_ =	shalt  }
0x85: {  	_ =	shalt  }
0x86: {  	_ =	shalt  }
0x87: {  	_ =	shalt  }
.Lfunc_end0:
.L_simem_size_0:
called_computation.3_lowered:
.L_overlay_start_0:
0x88: {  	s2 =	sld [smem:$0x3FD9]  }
0x89: {  	s3 =	sld [smem:$0x3FFE];
	_ =	sdelay $0x1  }
0x8a: {  	s1 =	srdreg.scid  }
0x8b: {  	s0 =	sand.u32 $0x1, s1  }
0x8c: {  	s16 =	sshll.u32 s0, $0xA;
	s2 =	sadd.s32 s3, s2  }
0x8d: {  	s2 =	sadd.s32 s2, s16  }
0x8e: {  	[smem:$0x3FC6] =	sst s2  }
0x8f: {  	_ = 	snop  }
0x90: {  	(tm) =	ssettm $0x1  }
0x91: {  	s17 =	sld [smem:$0x3FFB];
	_ =	sdelay $0x3  }
0x92: {  	_ =	strace s17  }
0x93: {  	s2 =	sld [smem:$0x3FFC];
	_ =	sdelay $0x3  }
0x94: {  	_ =	strace s2  }
0x95: {  	s2 =	sld [smem:$0x3FFD];
	_ =	sdelay $0x3  }
0x96: {  	_ =	strace s2  }
0x97: {  	_ =	strace $0x8FFFFFFF  }
0x98: {  	s18 =	sld [smem:$0x3FDB];
	_ =	sdelay $0x1  }
0x99: {  	s19 =	simm.s32 $_scs_section_size  }
0x9a: {  	s4 =	simm.s32 $_size__tile_overlayer_lowered;
	s5 =	simm.s32 $_tile_overlayer_lowered  }
0x9b: {  	s22 =	simm.s32 $0x1BFF;
	s21 =	sshll.u32 s5, $0x1;
	s2 =	sadd.s32 s19, s18  }
0x9c: {  	s6 =	simm.s32 $0x0;
	s20 =	sshll.u32 s4, $0x1;
	s4 =	sadd.s32 s21, s2  }
0x9d: {  	[timem:s6], [sflag:s22] =	dma.local [hbm:s4], s20  }
0x9e: {  	_ =	swait.ge [sflag:s22], s20  }
0x9f: {  	s3 =	ssub.s32 $0x0, s20;
	[sflag:s22] =	ssyncset.done $0x0  }
0xa0: {  	[sflag:s22] =	ssyncadd.s32 s3;
	_ =	sdelay $0x1  }
0xa1: {  	s23 =	simm.s32 $0x1B8B  }
0xa2: {  	_ =	swait.ge [sflag:s23], $0x1  }
0xa3: {  	[sflag:s23] =	ssyncset.done $0x0  }
0xa4: {  	s25 =	simm.s32 $0x1B8E;
	s24 =	sld [smem:$0x3FFE];
	[sflag:s23] =	ssyncadd.s32 $0xFFFFFFFF  }
0xa5: {  	s26 =	simm.s32 $execute0_lowered;
	[smem:$0x3FD2] =	sst s25  }
0xa6: {  	s4 =	sshll.u32 s26, $0x1;
	_ =	strace $0x80000046;
	[dreg:$0x1] =	wrdreg $0xFFFFFFFF  }
0xa7: {  	s28 =	simm.s32 $_size_execute0_lowered;
	s2 =	sadd.s32 s2, s4;
	[dreg:$0x0] =	wrdreg $0x0  }
0xa8: {  	s4 =	sshll.u32 s28, $0x1;
	[dreg:$0x2] =	wrdreg s2  }
0xa9: {  	[dreg:$0x3] =	wrdreg s4  }
0xaa: {  	[dreg:$0x4] =	wrdreg $0xC0  }
0xab: {  	_ =	task [dreg:s6], $0x5FFFF  }
0xac: {  	[dreg:$0x1] =	wrdreg $0xFFFFFFFF  }
0xad: {  	[dreg:$0x0] =	wrdreg $0x60  }
0xae: {  	[dreg:$0x2] =	wrdreg s24  }
0xaf: {  	[dreg:$0x3] =	wrdreg $0x9  }
0xb0: {  	_ =	task.clear_ibuf [dreg:s6], $0x4FFFF;
	_ =	strace $0x90000046  }
0xb1: {  	s29 =	simm.s32 $0x9;
	_ =	strace $0x80000048  }
0xb2: {  	_ =	swait.ge [sflag:s29], $0x1  }
0xb3: {  	[sflag:s29] =	ssyncadd.s32 $0xFFFFFFFF  }
0xb4: {  	_ =	strace $0x90000048  }
0xb5: {  	_ =	sfence  }
0xb6: {  	s30 =	sld [smem:$0x0];
	_ =	sdelay $0x2  }
0xb7: {  	s31 =	sshll.u32 s1, $0xD;
	s1 =	sshrl.u32 s1, $0x2  }
0xb8: {  	s3 =	sand.u32 $0x4000, s31;
	s1 =	sadd.s32 s1, s30  }
0xb9: {  	s0 =	sor.u32 s3, s0;
	s1 =	sshll.u32 s1, $0x11  }
0xba: {  	s0 =	sor.u32 s1, s0  }
0xbb: {  	s0 =	sadd.s32 $0x8F2B, s0  }
0xbc: {  	[sflag:s0] =	ssyncadd.remote.s32 $0x1  }
0xbd: {  	_ =	sfence.sel $0xFFFF  }
0xbe: {  	[dreg:$0x0] =	wrdreg $0xFFFFFFFF;
	(pc) =	sbr.abs _section_cstart, $3  }
0xbf: {  	[dreg:$0x1] =	wrdreg $0xFFFFFFFF  }
0xc0: {  	_ =	task.clear_ibuf [dreg:s6], $0x2FFFF;
	_ =	strace $0x9FFFFFFF  }
0xc1: {  	(tm) =	ssettm $0x7FFFFFFF  }
tec
execute0_lowered:
.L_overlay_start_1:
0x0: {  	(tag) =	ssettag $0x1  }
0x1: {  	s1 =	srdreg.scid  }
0x2: {  	s0 =	stileid.u32;
	s6 =	rddreg [dreg:$0x0];
	s2 =	simm.s32 $0x0  }
0x3: {  	s11 =	simm.s32 $0x5;
	s12 =	simm.s32 $0x320;
	s13 =	simm.s32 $0x640  }
0x4: {  	s14 =	simm.s32 $0x1;
	s15 =	simm.s32 $0xCE40;
	s16 =	simm.s32 $0x2  }
0x5: {  	s17 =	simm.s32 $0x3;
	s18 =	simm.s32 $0x4;
	s19 =	simm.s32 $0x0  }
0x6: {  	s5 =	sand.u32 $0x1, s1;
	s3 =	sshll.u32 s0, $0x1;
	s1 =	rddreg [dreg:$0x1]  }
0x7: {  	[smem:$0x7FF] =	sst s2;
	s4 =	sadd.s32 $0x33400, s6;
	s3 =	sor.u32 s5, s3  }
0x8: {  	_ =	strace $0x80000047;
	s7 =	ssub.s32 $0x2, s5;
	s3 =	smul.u32 $0xC800, s3  }
0x9: {  	s5 =	sadd.s32 $0x1400, s6;
	s6 =	sadd.s32 $0x7D4600, s6;
	s8 =	sshrl.u32 s7, $0x1  }
0xa: {  	s10 =	ssub.s32 s7, s8;
	s9 =	sshrl.u32 s3, $0x3;
	s8 =	sor.u32 $0x320, s3  }
0xb: {  	s10 =	smax.u32 s10, $0x1;
	s7 =	sadd.s32 s5, s9;
	s9 =	sor.u32 $0x640, s3  }
.LBB2_1:
0xc: {  	[tilespmem:s2], [sflag:$0x5] =	stream.linear.gather [hbm4b:s7+s2], $0x320, $0x38;
	[tilespmem:$0x19640] =	vst v63  }
0xd: {  	_ =	swait.ge [sflag:s11], $0x320  }
0xe: {  	[sflag:s11] =	ssyncset.done $0x0  }
0xf: {  	s20 =	simm.s32 $0x0;
	[sflag:s11] =	ssyncadd.s32 $0xFFFFFCE0  }
0x10: {  	[tilespmem:s13], [sflag:$0x1] =	stream.indirect.gather [hbm4b:s4+s12], $0x40, s2, s12, $0xb8;
	[tilespmem:$0x19640] =	vst v63  }
.LBB2_2:
0x11: {  	_ =	swait.ge [sflag:s14], $0xC800  }
0x12: {  	p0 =	seq.s32 s20, $0x0;
	s22 =	smul.u32 $0x640, s20;
	[sflag:s14] =	ssyncset.done $0x0  }
0x13: {  	s23 =	simm.s32 @!p0 $0x4;
	[sflag:s14] =	ssyncadd.s32 $0xFFFF3800  }
0x14: {  	s21 =	sadd.s32 s22, s8;
	_ =	swait.ge @!p0 [sflag:s23], $0xC800  }
0x15: {  	s24 =	sshrl.u32 s21, $0x3;
	[sflag:s23] =	ssyncset.done @!p0 $0x0  }
0x16: {  	s31 =	sadd.s32 s5, s24;
	[sflag:s23] =	ssyncadd.s32 @!p0 $0xFFFF3800  }
0x17: {  	[tilespmem:s12], [sflag:$0x5] =	stream.linear.gather [hbm4b:s31+s2], $0x320, $0x38;
	[tilespmem:$0x19640] =	vst v63  }
0x18: {  	_ =	swait.ge [sflag:s11], $0x320  }
0x19: {  	[sflag:s11] =	ssyncset.done $0x0  }
0x1a: {  	s23 =	simm.s32 $0x6C0;
	[sflag:s11] =	ssyncadd.s32 $0xFFFFFCE0  }
0x1b: {  	[tilespmem:s15], [sflag:$0x2] =	stream.indirect.gather [hbm4b:s4+s12], $0x40, s12, s12, $0xb8;
	[tilespmem:$0x19640] =	vst v63  }
0x1c: {  	v0 =	vld [tilespmem:s23+$0xFFFFFF80]  }
0x1d: {  	v1 =	vld [tilespmem:s23+$0xFFFFFF90]  }
0x1e: {  	v2 =	vld [tilespmem:s23+$0xFFFFFFA0]  }
0x1f: {  	v3 =	vld [tilespmem:s23+$0xFFFFFFB0]  }
0x20: {  	v4 =	vld [tilespmem:s23+$0xFFFFFFC0]  }
0x21: {  	v5 =	vld [tilespmem:s23+$0xFFFFFFD0];
	v0 =	vmul.f32 $8.000000000e+00, v0  }
0x22: {  	v6 =	vld [tilespmem:s23+$0xFFFFFFE0];
	v1 =	vmul.f32 $8.000000000e+00, v1  }
0x23: {  	[tilespmem:s23+$0xFFFFFF80] =	vst v0;
	v0 =	vmul.f32 $8.000000000e+00, v2;
	v2 =	vld [tilespmem:s23+$0x0]  }
0x24: {  	[tilespmem:s23+$0xFFFFFF90] =	vst v1;
	v1 =	vmul.f32 $8.000000000e+00, v3;
	v3 =	vld [tilespmem:s23+$0x10]  }
0x25: {  	[tilespmem:s23+$0xFFFFFFA0] =	vst v0;
	v0 =	vmul.f32 $8.000000000e+00, v4;
	v4 =	vld [tilespmem:s23+$0x20]  }
0x26: {  	v7 =	vld [tilespmem:s23+$0x30];
	[tilespmem:s23+$0xFFFFFFB0] =	vst v1;
	v1 =	vmul.f32 $8.000000000e+00, v5  }
0x27: {  	v5 =	vmul.f32 $8.000000000e+00, v6;
	[tilespmem:s23+$0xFFFFFFC0] =	vst v0;
	v0 =	vld [tilespmem:s23+$0x40]  }
0x28: {  	[tilespmem:s23+$0xFFFFFFD0] =	vst v1;
	v1 =	vld [tilespmem:s23+$0x50];
	v2 =	vmul.f32 $8.000000000e+00, v2  }
0x29: {  	[tilespmem:s23+$0xFFFFFFE0] =	vst v5;
	v6 =	vmul.f32 $8.000000000e+00, v3;
	v3 =	vld [tilespmem:s23+$0x60]  }
0x2a: {  	[tilespmem:s23+$0x0] =	vst v2;
	v5 =	vmul.f32 $8.000000000e+00, v4;
	v4 =	vld [tilespmem:s23+$0x70]  }
0x2b: {  	s25 =	simm.s32 $0x7C0;
	s24 =	simm.s32 $0x0;
	v2 =	vld [tilespmem:s23+$0xFFFFFFF0];
	[tilespmem:s23+$0x10] =	vst v6;
	v6 =	vmul.f32 $8.000000000e+00, v7  }
.LBB2_3:
0x2c: {  	v7 =	vld [tilespmem:s25+$0xFFFFFF80];
	[tilespmem:s23+$0x20] =	vst v5;
	v0 =	vmul.f32 $8.000000000e+00, v0  }
0x2d: {  	v5 =	vld [tilespmem:s25+$0xFFFFFF90];
	[tilespmem:s23+$0x30] =	vst v6;
	v1 =	vmul.f32 $8.000000000e+00, v1  }
0x2e: {  	v6 =	vld [tilespmem:s25+$0xFFFFFFA0];
	[tilespmem:s23+$0x40] =	vst v0;
	v0 =	vmul.f32 $8.000000000e+00, v3  }
0x2f: {  	v3 =	vld [tilespmem:s25+$0xFFFFFFB0];
	[tilespmem:s23+$0x50] =	vst v1;
	v1 =	vmul.f32 $8.000000000e+00, v4  }
0x30: {  	v4 =	vld [tilespmem:s25+$0xFFFFFFC0];
	v2 =	vmul.f32 $8.000000000e+00, v2;
	[tilespmem:s23+$0x60] =	vst v0  }
0x31: {  	v0 =	vmul.f32 $8.000000000e+00, v7;
	v7 =	vld [tilespmem:s25+$0xFFFFFFD0];
	[tilespmem:s23+$0x70] =	vst v1  }
0x32: {  	v1 =	vmul.f32 $8.000000000e+00, v5;
	v5 =	vld [tilespmem:s25+$0xFFFFFFE0];
	[tilespmem:s23+$0xFFFFFFF0] =	vst v2;
	s23 =	smov.u32 s25  }
0x33: {  	[tilespmem:s25+$0xFFFFFF80] =	vst v0;
	v0 =	vmul.f32 $8.000000000e+00, v6;
	v2 =	vld [tilespmem:s25+$0x0]  }
0x34: {  	[tilespmem:s25+$0xFFFFFF90] =	vst v1;
	v1 =	vmul.f32 $8.000000000e+00, v3;
	v3 =	vld [tilespmem:s25+$0x10]  }
0x35: {  	s24 =	sadd.s32 $0x4, s24;
	[tilespmem:s25+$0xFFFFFFA0] =	vst v0;
	v0 =	vmul.f32 $8.000000000e+00, v4;
	v4 =	vld [tilespmem:s25+$0x20]  }
0x36: {  	p0 =	slt.u32 s24, $0x31C;
	[tilespmem:s25+$0xFFFFFFB0] =	vst v1;
	v1 =	vmul.f32 $8.000000000e+00, v7;
	v6 =	vld [tilespmem:s25+$0x30]  }
.Ltmp0:
0x37: {  	[tilespmem:s25+$0xFFFFFFC0] =	vst v0;
	v5 =	vmul.f32 $8.000000000e+00, v5;
	v0 =	vld [tilespmem:s25+$0x40];
	(pc) =	sbr.rel @p0 .LBB2_3-.Ltmp0, $4  }
0x38: {  	[tilespmem:s25+$0xFFFFFFD0] =	vst v1;
	v2 =	vmul.f32 $8.000000000e+00, v2;
	v1 =	vld [tilespmem:s25+$0x50]  }
0x39: {  	[tilespmem:s25+$0xFFFFFFE0] =	vst v5;
	v7 =	vmul.f32 $8.000000000e+00, v3;
	v3 =	vld [tilespmem:s25+$0x60]  }
0x3a: {  	[tilespmem:s25+$0x0] =	vst v2;
	v5 =	vmul.f32 $8.000000000e+00, v4;
	v4 =	vld [tilespmem:s25+$0x70]  }
0x3b: {  	s25 =	sadd.s32 $0x100, s25;
	v2 =	vld [tilespmem:s23+$0xFFFFFFF0];
	[tilespmem:s23+$0x10] =	vst v7;
	v6 =	vmul.f32 $8.000000000e+00, v6  }
0x3c: {  	[tilespmem:s23+$0x20] =	vst v5;
	v0 =	vmul.f32 $8.000000000e+00, v0  }
0x3d: {  	[tilespmem:s23+$0x30] =	vst v6;
	v1 =	vmul.f32 $8.000000000e+00, v1  }
0x3e: {  	[tilespmem:s23+$0x40] =	vst v0;
	v0 =	vmul.f32 $8.000000000e+00, v3  }
0x3f: {  	[tilespmem:s23+$0x50] =	vst v1;
	v1 =	vmul.f32 $8.000000000e+00, v4  }
0x40: {  	s24 =	sadd.s32 s3, s22;
	v2 =	vmul.f32 $8.000000000e+00, v2;
	[tilespmem:s23+$0x60] =	vst v0  }
0x41: {  	s24 =	sshll.u32 s24, $0x3;
	[tilespmem:s23+$0x70] =	vst v1  }
0x42: {  	s31 =	sadd.s32 s6, s24;
	[tilespmem:s23+$0xFFFFFFF0] =	vst v2  }
0x43: {  	[hbm4b:s31+s2] =	stream.linear.scatter [tilespmem:s13], [sflag:$0x3], $0xC800, $0x38;
	[tilespmem:$0x19640] =	vst v63  }
0x44: {  	_ =	swait.ge [sflag:s16], $0xC800  }
0x45: {  	p0 =	seq.s32 s20, $0x1F;
	[sflag:s16] =	ssyncset.done $0x0  }
0x46: {  	s23 =	simm.s32 @!p0 $0x3;
	[sflag:s16] =	ssyncadd.s32 $0xFFFF3800  }
0x47: {  	s22 =	sadd.s32 @!p0 s22, s9;
	_ =	swait.ge @!p0 [sflag:s23], $0xC800  }
0x48: {  	s22 =	sshrl.u32 @!p0 s22, $0x3;
	[sflag:s23] =	ssyncset.done @!p0 $0x0  }
0x49: {  	s22 =	sadd.s32 @!p0 s5, s22;
	[sflag:s23] =	ssyncadd.s32 @!p0 $0xFFFF3800;
	s23 =	simm.s32 @!p0 $0x0  }
0x4a: {  	[tilespmem:s23], [sflag:$0x5] =	stream.linear.gather @!p0 [hbm4b:s22+s23], $0x320, $0x38;
	[tilespmem:$0x19640] =	vst v63  }
0x4b: {  	s22 =	simm.s32 @!p0 $0x5  }
0x4c: {  	_ =	swait.ge @!p0 [sflag:s22], $0x320  }
0x4d: {  	[sflag:s22] =	ssyncset.done @!p0 $0x0  }
0x4e: {  	s24 =	simm.s32 @!p0 $0x640;
	[sflag:s22] =	ssyncadd.s32 @!p0 $0xFFFFFCE0;
	s22 =	simm.s32 @!p0 $0x320  }
0x4f: {  	[tilespmem:s24], [sflag:$0x1] =	stream.indirect.gather @!p0 [hbm4b:s4+s22], $0x40, s23, s22, $0xb8;
	[tilespmem:$0x19640] =	vst v63  }
0x50: {  	s22 =	simm.s32 $0xCEC0  }
0x51: {  	v0 =	vld [tilespmem:s22+$0xFFFFFF80]  }
0x52: {  	v1 =	vld [tilespmem:s22+$0xFFFFFF90]  }
0x53: {  	v2 =	vld [tilespmem:s22+$0xFFFFFFA0]  }
0x54: {  	v3 =	vld [tilespmem:s22+$0xFFFFFFB0]  }
0x55: {  	v4 =	vld [tilespmem:s22+$0xFFFFFFC0]  }
0x56: {  	v5 =	vld [tilespmem:s22+$0xFFFFFFD0];
	v0 =	vmul.f32 $8.000000000e+00, v0  }
0x57: {  	v6 =	vld [tilespmem:s22+$0xFFFFFFE0];
	v1 =	vmul.f32 $8.000000000e+00, v1  }
0x58: {  	[tilespmem:s22+$0xFFFFFF80] =	vst v0;
	v0 =	vmul.f32 $8.000000000e+00, v2;
	v2 =	vld [tilespmem:s22+$0x0]  }
0x59: {  	[tilespmem:s22+$0xFFFFFF90] =	vst v1;
	v1 =	vmul.f32 $8.000000000e+00, v3;
	v3 =	vld [tilespmem:s22+$0x10]  }
0x5a: {  	[tilespmem:s22+$0xFFFFFFA0] =	vst v0;
	v0 =	vmul.f32 $8.000000000e+00, v4;
	v4 =	vld [tilespmem:s22+$0x20]  }
0x5b: {  	v7 =	vld [tilespmem:s22+$0x30];
	[tilespmem:s22+$0xFFFFFFB0] =	vst v1;
	v1 =	vmul.f32 $8.000000000e+00, v5  }
0x5c: {  	v5 =	vmul.f32 $8.000000000e+00, v6;
	[tilespmem:s22+$0xFFFFFFC0] =	vst v0;
	v0 =	vld [tilespmem:s22+$0x40]  }
0x5d: {  	[tilespmem:s22+$0xFFFFFFD0] =	vst v1;
	v1 =	vld [tilespmem:s22+$0x50];
	v2 =	vmul.f32 $8.000000000e+00, v2  }
0x5e: {  	[tilespmem:s22+$0xFFFFFFE0] =	vst v5;
	v6 =	vmul.f32 $8.000000000e+00, v3;
	v3 =	vld [tilespmem:s22+$0x60]  }
0x5f: {  	[tilespmem:s22+$0x0] =	vst v2;
	v5 =	vmul.f32 $8.000000000e+00, v4;
	v4 =	vld [tilespmem:s22+$0x70]  }
0x60: {  	s23 =	simm.s32 $0x0;
	s24 =	simm.s32 $0xCFC0;
	v2 =	vld [tilespmem:s22+$0xFFFFFFF0];
	[tilespmem:s22+$0x10] =	vst v6;
	v6 =	vmul.f32 $8.000000000e+00, v7  }
.LBB2_5:
0x61: {  	v7 =	vld [tilespmem:s24+$0xFFFFFF80];
	[tilespmem:s22+$0x20] =	vst v5;
	v0 =	vmul.f32 $8.000000000e+00, v0  }
0x62: {  	v5 =	vld [tilespmem:s24+$0xFFFFFF90];
	[tilespmem:s22+$0x30] =	vst v6;
	v1 =	vmul.f32 $8.000000000e+00, v1  }
0x63: {  	v6 =	vld [tilespmem:s24+$0xFFFFFFA0];
	[tilespmem:s22+$0x40] =	vst v0;
	v0 =	vmul.f32 $8.000000000e+00, v3  }
0x64: {  	v3 =	vld [tilespmem:s24+$0xFFFFFFB0];
	[tilespmem:s22+$0x50] =	vst v1;
	v1 =	vmul.f32 $8.000000000e+00, v4  }
0x65: {  	v4 =	vld [tilespmem:s24+$0xFFFFFFC0];
	v2 =	vmul.f32 $8.000000000e+00, v2;
	[tilespmem:s22+$0x60] =	vst v0  }
0x66: {  	v0 =	vmul.f32 $8.000000000e+00, v7;
	v7 =	vld [tilespmem:s24+$0xFFFFFFD0];
	[tilespmem:s22+$0x70] =	vst v1  }
0x67: {  	v1 =	vmul.f32 $8.000000000e+00, v5;
	v5 =	vld [tilespmem:s24+$0xFFFFFFE0];
	[tilespmem:s22+$0xFFFFFFF0] =	vst v2;
	s22 =	smov.u32 s24  }
0x68: {  	[tilespmem:s24+$0xFFFFFF80] =	vst v0;
	v0 =	vmul.f32 $8.000000000e+00, v6;
	v2 =	vld [tilespmem:s24+$0x0]  }
0x69: {  	[tilespmem:s24+$0xFFFFFF90] =	vst v1;
	v1 =	vmul.f32 $8.000000000e+00, v3;
	v3 =	vld [tilespmem:s24+$0x10]  }
0x6a: {  	s23 =	sadd.s32 $0x4, s23;
	[tilespmem:s24+$0xFFFFFFA0] =	vst v0;
	v0 =	vmul.f32 $8.000000000e+00, v4;
	v4 =	vld [tilespmem:s24+$0x20]  }
0x6b: {  	p0 =	slt.u32 s23, $0x31C;
	[tilespmem:s24+$0xFFFFFFB0] =	vst v1;
	v1 =	vmul.f32 $8.000000000e+00, v7;
	v6 =	vld [tilespmem:s24+$0x30]  }
.Ltmp1:
0x6c: {  	[tilespmem:s24+$0xFFFFFFC0] =	vst v0;
	v5 =	vmul.f32 $8.000000000e+00, v5;
	v0 =	vld [tilespmem:s24+$0x40];
	(pc) =	sbr.rel @p0 .LBB2_5-.Ltmp1, $4  }
0x6d: {  	[tilespmem:s24+$0xFFFFFFD0] =	vst v1;
	v2 =	vmul.f32 $8.000000000e+00, v2;
	v1 =	vld [tilespmem:s24+$0x50]  }
0x6e: {  	[tilespmem:s24+$0xFFFFFFE0] =	vst v5;
	v7 =	vmul.f32 $8.000000000e+00, v3;
	v3 =	vld [tilespmem:s24+$0x60]  }
0x6f: {  	[tilespmem:s24+$0x0] =	vst v2;
	v5 =	vmul.f32 $8.000000000e+00, v4;
	v4 =	vld [tilespmem:s24+$0x70]  }
0x70: {  	s24 =	sadd.s32 $0x100, s24;
	v2 =	vld [tilespmem:s22+$0xFFFFFFF0];
	[tilespmem:s22+$0x10] =	vst v7;
	v6 =	vmul.f32 $8.000000000e+00, v6  }
0x71: {  	[tilespmem:s22+$0x20] =	vst v5;
	v0 =	vmul.f32 $8.000000000e+00, v0  }
0x72: {  	s20 =	sadd.s32 $0x1, s20;
	[tilespmem:s22+$0x30] =	vst v6;
	v1 =	vmul.f32 $8.000000000e+00, v1  }
0x73: {  	p0 =	sne.s32 s20, $0x20;
	[tilespmem:s22+$0x40] =	vst v0;
	v62 =	vmul.f32 $8.000000000e+00, v3  }
.Ltmp2:
0x74: {  	[tilespmem:s22+$0x50] =	vst v1;
	v63 =	vmul.f32 $8.000000000e+00, v4;
	(pc) =	sbr.rel @p0 .LBB2_2-.Ltmp2, $4  }
0x75: {  	s21 =	sshll.u32 s21, $0x3;
	v2 =	vmul.f32 $8.000000000e+00, v2;
	[tilespmem:s22+$0x60] =	vst v62  }
0x76: {  	s21 =	sand.u32 $0x1FFFFF00, s21;
	[tilespmem:s22+$0x70] =	vst v63  }
0x77: {  	s21 =	sadd.s32 s6, s21;
	[tilespmem:s22+$0xFFFFFFF0] =	vst v2  }
0x78: {  	[hbm4b:s21+s2] =	stream.linear.scatter [tilespmem:s15], [sflag:$0x4], $0xC800, $0x38;
	[tilespmem:$0x19640] =	vst v63  }
0x79: {  	s19 =	sadd.s32 $0x1, s19  }
0x7a: {  	_ =	swait.ge [sflag:s17], $0xC800;
	p0 =	sne.s32 s19, s10  }
.Ltmp3:
0x7b: {  	[sflag:s17] =	ssyncset.done $0x0;
	(pc) =	sbr.rel @p0 .LBB2_1-.Ltmp3, $4  }
0x7c: {  	[sflag:s17] =	ssyncadd.s32 $0xFFFF3800  }
0x7d: {  	_ =	swait.ge [sflag:s18], $0xC800  }
0x7e: {  	[sflag:s18] =	ssyncset.done $0x0  }
0x7f: {  	[sflag:s18] =	ssyncadd.s32 $0xFFFF3800  }
0x80: {  	_ =	sfence.sel $0x180000  }
0x81: {  	[bflag:$0x0] =	sbarrier.arrive $0xFFFF  }
0x82: {  	p0 =	sne.s32 s0, $0x0;
	_ =	strace $0x90000047  }
0x83: {  	s0 =	sadd.s32 @!p0 $0x100000, s1;
	[bflag:$0x2] =	sbarrier.arrive $0xFFFF  }
0x84: {  	[sflag:s0] =	ssyncadd.tile.s32 @!p0 $0x1;
	_ =	shalt  }
.Lfunc_end2:
_tile_overlayer_lowered:
.L_overlay_start_2:
0x85: {  	(tag) =	ssettag $0x2  }
0x86: {  	s0 =	rddreg [dreg:$0x0];
	s2 =	stileid.u32  }
0x87: {  	s1 =	rddreg [dreg:$0x1];
	p0 =	sne.s32 s2, $0x0  }
0x88: {  	s3 =	rddreg [dreg:$0x2];
	[bflag:$0x3] =	sbarrier.arrive $0xFFFF;
	s2 =	simm.s32 @!p0 $0x1C05  }
0x89: {  	[timem:s3], [sflag:s2] =	dma.local @!p0 [hbm:s0], s1  }
0x8a: {  	s0 =	simm.s32 @!p0 $0x5  }
0x8b: {  	_ =	swait.ge @!p0 [sflag:s0], s1  }
0x8c: {  	s1 =	ssub.s32 @!p0 $0x0, s1;
	[sflag:s0] =	ssyncset.done @!p0 $0x0  }
0x8d: {  	[sflag:s0] =	ssyncadd.s32 @!p0 s1  }
0x8e: {  	[bflag:$0x3] =	sbarrier.arrive $0xFFFF  }
0x8f: {  	_ =	shalt  }

// kernel: sparse-core-data-format-call.1.cloned.1.call-start
scs
called_computation.1_lowered:
.L_overlay_start_0:
0x0: {  	s2 =	sld [smem:$0x3FD9]  }
0x1: {  	s3 =	sld [smem:$0x3FFE];
	_ =	sdelay $0x1  }
0x2: {  	s1 =	srdreg.scid  }
0x3: {  	s0 =	sand.u32 $0x1, s1  }
0x4: {  	s18 =	sshll.u32 s0, $0xA;
	s2 =	sadd.s32 s3, s2  }
0x5: {  	s2 =	sadd.s32 s2, s18  }
0x6: {  	[smem:$0x3FC6] =	sst s2  }
0x7: {  	_ = 	snop  }
0x8: {  	s19 =	sld [smem:$0x3FD0];
	(tm) =	ssettm $0x1  }
0x9: {  	s20 =	sld [smem:$0x3FFB];
	_ =	sdelay $0x3  }
0xa: {  	_ =	strace s20  }
0xb: {  	s2 =	sld [smem:$0x3FFC];
	_ =	sdelay $0x3  }
0xc: {  	_ =	strace s2  }
0xd: {  	s2 =	sld [smem:$0x3FFD];
	_ =	sdelay $0x3  }
0xe: {  	_ =	strace s2  }
0xf: {  	_ =	strace $0x8FFFFFFF  }
0x10: {  	s21 =	sld [smem:$0x3FDB];
	_ =	sdelay $0x1  }
0x11: {  	s4 =	simm.s32 $_scs_section_size  }
0x12: {  	s5 =	simm.s32 $_size__tile_overlayer_lowered;
	s6 =	simm.s32 $_tile_overlayer_lowered  }
0x13: {  	s7 =	simm.s32 $0x1BFF;
	s22 =	sshll.u32 s6, $0x1;
	s4 =	sadd.s32 s4, s21  }
0x14: {  	s23 =	simm.s32 $0x0;
	s5 =	sshll.u32 s5, $0x1;
	s6 =	sadd.s32 s22, s4  }
0x15: {  	[timem:s23], [sflag:s7] =	dma.local [hbm:s6], s5  }
0x16: {  	_ =	swait.ge [sflag:s7], s5  }
0x17: {  	s5 =	ssub.s32 $0x0, s5;
	[sflag:s7] =	ssyncset.done $0x0  }
0x18: {  	[sflag:s7] =	ssyncadd.s32 s5;
	_ =	sdelay $0x1  }
0x19: {  	s24 =	simm.s32 $0x1B8B  }
0x1a: {  	_ =	swait.ge [sflag:s24], $0x1  }
0x1b: {  	[sflag:s24] =	ssyncset.done $0x0  }
0x1c: {  	[sflag:s24] =	ssyncadd.s32 $0xFFFFFFFF  }
0x1d: {  	s5 =	sld [smem:$0x0]  }
0x1e: {  	s6 =	sand.u32 $0xFFFFFFFE, s1  }
0x1f: {  	p0 =	sne.s32 s1, s6  }
0x20: {  	s6 =	sshll.u32 @p0 s6, $0xE  }
0x21: {  	s6 =	sadd.s32 @p0 $0x11B8D, s6;
	s7 =	sshll.u32 @p0 s5, $0x11  }
0x22: {  	s6 =	sor.u32 @p0 s7, s6  }
0x23: {  	[sflag:s6] =	ssyncadd.remote.s32 @p0 $0x1;
	_ =	sdelay $0x1  }
0x24: {  	s6 =	simm.s32 @p0 $0x1B8D  }
0x25: {  	_ =	swait.eq @p0 [sflag:s6], $0x1  }
0x26: {  	[sflag:s6] =	ssyncadd.s32 @p0 $0xFFFFFFFF  }
0x27: {  	s7 =	sshll.u32 @!p0 s1, $0xE  }
0x28: {  	s7 =	sor.u32 @!p0 $0x4000, s7;
	s6 =	simm.s32 @!p0 $0x1B8D  }
0x29: {  	s5 =	sshll.u32 @!p0 s5, $0x11;
	s7 =	sadd.s32 @!p0 $0x11B8D, s7;
	_ =	swait.eq @!p0 [sflag:s6], $0x1  }
0x2a: {  	s5 =	sor.u32 @!p0 s5, s7;
	[sflag:s6] =	ssyncadd.s32 @!p0 $0xFFFFFFFF  }
0x2b: {  	s26 =	simm.s32 $0x1B8E;
	s25 =	sld [smem:$0x3FFE];
	[sflag:s5] =	ssyncadd.remote.s32 @!p0 $0x1  }
0x2c: {  	s27 =	simm.s32 $execute0_lowered;
	[smem:$0x3FD2] =	sst s26  }
0x2d: {  	s6 =	sshll.u32 s27, $0x1;
	_ =	strace $0x8000004C;
	[dreg:$0x1] =	wrdreg $0xFFFFFFFF  }
0x2e: {  	s28 =	simm.s32 $_size_execute0_lowered;
	s4 =	sadd.s32 s4, s6;
	[dreg:$0x0] =	wrdreg $0x0  }
0x2f: {  	s6 =	sshll.u32 s28, $0x1;
	[dreg:$0x2] =	wrdreg s4  }
0x30: {  	[dreg:$0x3] =	wrdreg s6  }
0x31: {  	[dreg:$0x4] =	wrdreg $0xC0  }
0x32: {  	_ =	task [dreg:s23], $0x5FFFF  }
0x33: {  	[dreg:$0x1] =	wrdreg $0xFFFFFFFF  }
0x34: {  	[dreg:$0x0] =	wrdreg $0x60  }
0x35: {  	[dreg:$0x2] =	wrdreg s19  }
0x36: {  	[dreg:$0x3] =	wrdreg s25  }
0x37: {  	[dreg:$0x4] =	wrdreg $0x9  }
0x38: {  	_ =	task.clear_ibuf [dreg:s23], $0x5FFFF;
	_ =	strace $0x9000004C  }
0x39: {  	s29 =	simm.s32 $0x9;
	_ =	strace $0x8000004E  }
0x3a: {  	_ =	swait.ge [sflag:s29], $0x1  }
0x3b: {  	[sflag:s29] =	ssyncadd.s32 $0xFFFFFFFF  }
0x3c: {  	_ =	strace $0x9000004E  }
0x3d: {  	_ =	sfence  }
0x3e: {  	s30 =	sld [smem:$0x0];
	_ =	sdelay $0x2  }
0x3f: {  	s31 =	sshll.u32 s1, $0xD;
	s1 =	sshrl.u32 s1, $0x2  }
0x40: {  	s4 =	sand.u32 $0x4000, s31;
	s1 =	sadd.s32 s1, s30  }
0x41: {  	s0 =	sor.u32 s4, s0;
	s1 =	sshll.u32 s1, $0x11  }
0x42: {  	s0 =	sor.u32 s1, s0  }
0x43: {  	s0 =	sadd.s32 $0x8F2B, s0  }
0x44: {  	[sflag:s0] =	ssyncadd.remote.s32 $0x1  }
0x45: {  	_ =	sfence.sel $0xFFFF  }
0x46: {  	[dreg:$0x0] =	wrdreg $0xFFFFFFFF;
	(pc) =	sbr.abs _section_cstart, $3  }
0x47: {  	[dreg:$0x1] =	wrdreg $0xFFFFFFFF  }
0x48: {  	_ =	task.clear_ibuf [dreg:s23], $0x2FFFF;
	_ =	strace $0x9FFFFFFF  }
0x49: {  	(tm) =	ssettm $0x7FFFFFFF  }
tec
execute0_lowered:
.L_overlay_start_1:
0x0: {  	(tag) =	ssettag $0x1  }
0x1: {  	s0 =	srdreg.scid  }
0x2: {  	s1 =	sshll.u32 s0, $0x4  }
0x3: {  	s0 =	stileid.u32;
	s1 =	sand.u32 $0x10, s1  }
0x4: {  	s3 =	rddreg [dreg:$0x0];
	s1 =	sor.u32 s0, s1  }
0x5: {  	s6 =	rddreg [dreg:$0x1];
	s2 =	sshll.u32 s1, $0x7  }
0x6: {  	s7 =	simm.s32 $0x2;
	s12 =	simm.s32 $0x0;
	s1 =	ssub.s32 $0x2000, s2  }
0x7: {  	s8 =	simm.s32 $0x10000;
	s13 =	simm.s32 $0x0;
	s4 =	sand.u32 $0xF80, s1  }
0x8: {  	s9 =	simm.s32 $0x0;
	p0 =	sne.s32 s4, $0x0;
	s4 =	simm.s32 $0x1  }
.Ltmp0:
0x9: {  	s5 =	sshrl.u32 s1, $0xC;
	s4 =	simm.s32 @!p0 $0x0;
	(pc) =	sbr.rel .LBB1_1-.Ltmp0, $4  }
0xa: {  	s11 =	simm.s32 $0x0;
	s1 =	rddreg [dreg:$0x2];
	s5 =	sadd.s32 s4, s5  }
0xb: {  	_ =	strace $0x8000004D;
	s4 =	simm.s32 $0x1;
	s5 =	smul.u32 $0xC8, s5  }
0xc: {  	s6 =	sadd.s32 $0x7D4600, s6;
	s10 =	smov.u32 s2;
	[sflag:s4] =	ssyncpa.u1 $0x0  }
0xd: {  	p0 =	por $0x0, $0x0;
	[sflag:s7] =	ssyncpa.u1 $0x0;
	s7 =	sor.u32 $0x1, s5  }
.LBB1_4:
0xe: {  	s16 =	sshll.u32 s13, $0x3;
	s17 =	sand.u32 $0x78, s13  }
0xf: {  	s30 =	sand.u32 $0xFC00, s13;
	s12 =	sshll.u32 s12, $0x10;
	s16 =	sand.u32 $0x1C00, s16  }
0x10: {  	[tilespmem:s15+$0x810 ss:$0x81] =	vst.msk $0xffff, v2;
	s31 =	sand.u32 $0x7, s13;
	s16 =	sor.u32 s17, s16;
	s17 =	sadd.s32 s6, s30  }
0x11: {  	[tilespmem:s15+$0x1020 ss:$0x81] =	vst.msk $0xffff, v0;
	s13 =	sshll.u32 s31, $0x12;
	s12 =	sadd.s32 s12, s17;
	s16 =	sshrl.u32 s16, $0x3  }
0x12: {  	[tilespmem:s15+$0x0 ss:$0x81] =	vst.msk $0xffff, v1;
	s13 =	sor.u32 $0x400, s13;
	s12 =	sadd.s32 s16, s12  }
0x13: {  	[hbm4b:s12+s13] =	stream.strided.scatter [tilespmem:s14], [sflag:$0x2], $0x2000, s8, s13, $0x20;
	[tilespmem:$0x8080] =	vst v63  }
.LBB1_5:
0x14: {  	s14 =	sadd.s32 $0x1, s9  }
0x15: {  	s12 =	sadd.s32 $0x1000, s10;
	s16 =	smov.u32 s10;
	p2 =	sgt.s32 s14, $0xC7  }
0x16: {  	s16 =	smov.u32 @p2 s12  }
0x17: {  	s14 =	simm.s32 @p2 $0x0;
	p2 =	sgt.s32 s16, $0x1FFF  }
0x18: {  	s16 =	smov.u32 @p2 s2;
	p2 =	sne.s32 s11, s7  }
.Ltmp1:
0x19: {  	p1 =	slt.u32 s11, $0x2;
	(pc) =	sbr.rel @!p2 .LBB1_6-.Ltmp1, $4  }
0x1a: {  	s15 =	simm.s32 @!p1 $0x2  }
0x1b: {  	s13 =	smov.u32 s10;
	p0 =	por !p0, !p0;
	_ =	swait.ge @!p1 [sflag:s15], $0x2000  }
0x1c: {  	s12 =	smov.u32 s9;
	[sflag:s15] =	ssyncset.done @!p1 $0x0;
	s9 =	smov.u32 s14  }
0x1d: {  	s11 =	sadd.s32 $0x1, s11;
	[sflag:s15] =	ssyncadd.s32 @!p1 $0xFFFFE000;
	s10 =	smov.u32 s16  }
.LBB1_1:
0x1e: {  	p1 =	sge.u32 s11, s5  }
0x1f: {  	s14 =	sand.u32 @!p1 $0x1FFFFFF, s9  }
0x20: {  	s15 =	smulhi.u32 @!p1 $0x147AE15, s14;
	_ =	sdelay $0x1  }
0x21: {  	s15 =	smul.u32 @!p1 $0xC8, s15  }
0x22: {  	s16 =	sxor.u32 @!p1 $0xFFFFFFFF, s11;
	s17 =	smul.u32 @!p1 $0xC80, s10  }
0x23: {  	s31 =	sadd.s32 $0xFFFFFFFF, s11;
	s16 =	sshll.u32 @!p1 s16, $0xD;
	s14 =	ssub.s32 @!p1 s14, s15  }
0x24: {  	s15 =	sand.u32 @!p1 $0x2000, s16;
	s16 =	sadd.s32 @!p1 s3, s17;
	s14 =	sshll.u32 @!p1 s14, $0x4  }
0x25: {  	s17 =	simm.s32 @!p1 $0x6400;
	s14 =	sadd.s32 @!p1 s14, s16;
	s16 =	simm.s32 @!p1 $0x40  }
0x26: {  	[tilespmem:s15], [sflag:$0x1] =	stream.strided.gather @!p1 [hbm4b:s14+s16], $0x2000, s17, s16, $0x38;
	[tilespmem:$0x8080] =	vst v63  }
0x27: {  	p1 =	sge.u32 s31, s5  }
.Ltmp2:
0x28: {  	_ = 	snop;
	(pc) =	sbr.rel @p1 .LBB1_5-.Ltmp2, $1  }
0x29: {  	_ =	sdelay $0x3  }
0x2a: {  	s14 =	simm.s32 $0x1  }
0x2b: {  	_ =	swait.ge [sflag:s4], $0x2000;
	s14 =	simm.s32 @!p0 $0x0  }
0x2c: {  	[sflag:s4] =	ssyncset.done $0x0;
	s15 =	sshll.u32 s14, $0xD  }
0x2d: {  	[sflag:s4] =	ssyncadd.s32 $0xFFFFE000;
	s18 =	sor.u32 $0x20, s15  }
0x2e: {  	s14 =	smul.u32 $0x8100, s14;
	v3 =	vld [tilespmem:s18+$0x10]  }
0x2f: {  	s30 =	sand.u32 $0x1, s11;
	v2 =	vld [tilespmem:s18+$0xFFFFFFF0]  }
0x30: {  	s15 =	smul.u32 $0x8100, s30;
	s14 =	sshrl.u32 s14, $0x2;
	v0 =	vld [tilespmem:s18+$0x0]  }
0x31: {  	v1 =	vld [tilespmem:s18+$0xFFFFFFE0];
	s16 =	sor.u32 $0x4000, s14  }
0x32: {  	s31 =	sshrl.u32 s15, $0x2;
	s15 =	sadd.s32 $0x0, s16  }
0x33: {  	s17 =	simm.s32 $0x4;
	s18 =	sadd.s32 $0x40, s18;
	s14 =	sor.u32 $0x4000, s31;
	[tilespmem:s15+$0x1830 ss:$0x81] =	vst.msk $0xffff, v3  }
.LBB1_3:
0x34: {  	v3 =	vld [tilespmem:s18+$0x10];
	p1 =	sne.s32 s17, $0x1FC;
	[tilespmem:s15+$0x810 ss:$0x81] =	vst.msk $0xffff, v2;
	s19 =	smov.u32 s17;
	s17 =	sadd.s32 $0x4, s17  }
.Ltmp3:
0x35: {  	v2 =	vld [tilespmem:s18+$0xFFFFFFF0];
	[tilespmem:s15+$0x1020 ss:$0x81] =	vst.msk $0xffff, v0;
	(pc) =	sbr.rel @p1 .LBB1_3-.Ltmp3, $4  }
0x36: {  	v0 =	vld [tilespmem:s18+$0x0];
	[tilespmem:s15+$0x0 ss:$0x81] =	vst.msk $0xffff, v1  }
0x37: {  	s15 =	sshra.s32 s19, $0x2;
	v1 =	vld [tilespmem:s18+$0xFFFFFFE0]  }
0x38: {  	s15 =	sadd.s32 s15, s16  }
0x39: {  	s18 =	sadd.s32 $0x40, s18;
	[tilespmem:s15+$0x1830 ss:$0x81] =	vst.msk $0xffff, v3  }
.Ltmp4:
0x3a: {  	_ = 	snop;
	(pc) =	sbr.rel .LBB1_4-.Ltmp4, $1  }
0x3b: {  	_ =	sdelay $0x3  }
.LBB1_6:
0x3c: {  	_ =	sfence.sel $0x180000  }
0x3d: {  	s2 =	simm.s32 $0x1;
	[bflag:$0x0] =	sbarrier.arrive $0xFFFF  }
0x3e: {  	s31 =	simm.s32 $0x2;
	[sflag:s2] =	ssyncpa.u1 $0x1  }
0x3f: {  	[sflag:s31] =	ssyncpa.u1 $0x1  }
0x40: {  	p0 =	sne.s32 s0, $0x0;
	_ =	strace $0x9000004D  }
0x41: {  	s0 =	sadd.s32 @!p0 $0x100000, s1;
	[bflag:$0x2] =	sbarrier.arrive $0xFFFF  }
0x42: {  	[sflag:s0] =	ssyncadd.tile.s32 @!p0 $0x1;
	_ =	shalt  }
.Lfunc_end1:
_tile_overlayer_lowered:
.L_overlay_start_2:
0x43: {  	(tag) =	ssettag $0x2  }
0x44: {  	s0 =	rddreg [dreg:$0x0];
	s2 =	stileid.u32  }
0x45: {  	s1 =	rddreg [dreg:$0x1];
	p0 =	sne.s32 s2, $0x0  }
0x46: {  	s3 =	rddreg [dreg:$0x2];
	[bflag:$0x3] =	sbarrier.arrive $0xFFFF;
	s2 =	simm.s32 @!p0 $0x1C01  }
0x47: {  	[timem:s3], [sflag:s2] =	dma.local @!p0 [hbm:s0], s1  }
0x48: {  	s0 =	simm.s32 @!p0 $0x1  }
0x49: {  	_ =	swait.ge @!p0 [sflag:s0], s1  }
0x4a: {  	s1 =	ssub.s32 @!p0 $0x0, s1;
	[sflag:s0] =	ssyncset.done @!p0 $0x0  }
0x4b: {  	[sflag:s0] =	ssyncadd.s32 @!p0 s1  }
0x4c: {  	[bflag:$0x3] =	sbarrier.arrive $0xFFFF  }
0x4d: {  	_ =	shalt  }

// kernel: sparse-core-data-format-call.cloned.1.call-start
scs
called_computation_lowered:
.L_overlay_start_0:
0x0: {  	s2 =	sld [smem:$0x3FD9]  }
0x1: {  	s3 =	sld [smem:$0x3FFE];
	_ =	sdelay $0x1  }
0x2: {  	s1 =	srdreg.scid  }
0x3: {  	s0 =	sand.u32 $0x1, s1  }
0x4: {  	s18 =	sshll.u32 s0, $0xA;
	s2 =	sadd.s32 s3, s2  }
0x5: {  	s2 =	sadd.s32 s2, s18  }
0x6: {  	[smem:$0x3FC6] =	sst s2  }
0x7: {  	_ = 	snop  }
0x8: {  	(tm) =	ssettm $0x1  }
0x9: {  	s19 =	sld [smem:$0x3FFB];
	_ =	sdelay $0x3  }
0xa: {  	_ =	strace s19  }
0xb: {  	s2 =	sld [smem:$0x3FFC];
	_ =	sdelay $0x3  }
0xc: {  	_ =	strace s2  }
0xd: {  	s2 =	sld [smem:$0x3FFD];
	_ =	sdelay $0x3  }
0xe: {  	_ =	strace s2  }
0xf: {  	_ =	strace $0x8FFFFFFF  }
0x10: {  	s20 =	sld [smem:$0x3FDB];
	_ =	sdelay $0x1  }
0x11: {  	s21 =	simm.s32 $_scs_section_size  }
0x12: {  	s4 =	simm.s32 $_size__tile_overlayer_lowered;
	s5 =	simm.s32 $_tile_overlayer_lowered  }
0x13: {  	s6 =	simm.s32 $0x1BFF;
	s22 =	sshll.u32 s5, $0x1;
	s3 =	sadd.s32 s21, s20  }
0x14: {  	s23 =	simm.s32 $0x0;
	s4 =	sshll.u32 s4, $0x1;
	s5 =	sadd.s32 s22, s3  }
0x15: {  	[timem:s23], [sflag:s6] =	dma.local [hbm:s5], s4  }
0x16: {  	_ =	swait.ge [sflag:s6], s4  }
0x17: {  	s4 =	ssub.s32 $0x0, s4;
	[sflag:s6] =	ssyncset.done $0x0  }
0x18: {  	[sflag:s6] =	ssyncadd.s32 s4;
	_ =	sdelay $0x1  }
0x19: {  	s24 =	simm.s32 $0x1B8B  }
0x1a: {  	_ =	swait.ge [sflag:s24], $0x1  }
0x1b: {  	[sflag:s24] =	ssyncset.done $0x0  }
0x1c: {  	[sflag:s24] =	ssyncadd.s32 $0xFFFFFFFF  }
0x1d: {  	s4 =	sld [smem:$0x0]  }
0x1e: {  	s5 =	sand.u32 $0xFFFFFFFE, s1  }
0x1f: {  	p0 =	sne.s32 s1, s5  }
0x20: {  	s5 =	sshll.u32 @p0 s5, $0xE  }
0x21: {  	s5 =	sadd.s32 @p0 $0x11B8D, s5;
	s6 =	sshll.u32 @p0 s4, $0x11  }
0x22: {  	s5 =	sor.u32 @p0 s6, s5  }
0x23: {  	[sflag:s5] =	ssyncadd.remote.s32 @p0 $0x1;
	_ =	sdelay $0x1  }
0x24: {  	s5 =	simm.s32 @p0 $0x1B8D  }
0x25: {  	_ =	swait.eq @p0 [sflag:s5], $0x1  }
0x26: {  	[sflag:s5] =	ssyncadd.s32 @p0 $0xFFFFFFFF  }
0x27: {  	s6 =	sshll.u32 @!p0 s1, $0xE  }
0x28: {  	s6 =	sor.u32 @!p0 $0x4000, s6;
	s5 =	simm.s32 @!p0 $0x1B8D  }
0x29: {  	s4 =	sshll.u32 @!p0 s4, $0x11;
	s6 =	sadd.s32 @!p0 $0x11B8D, s6;
	_ =	swait.eq @!p0 [sflag:s5], $0x1  }
0x2a: {  	s4 =	sor.u32 @!p0 s4, s6;
	[sflag:s5] =	ssyncadd.s32 @!p0 $0xFFFFFFFF  }
0x2b: {  	s26 =	simm.s32 $0x1B8E;
	s25 =	sld [smem:$0x3FFE];
	[sflag:s4] =	ssyncadd.remote.s32 @!p0 $0x1  }
0x2c: {  	s27 =	simm.s32 $execute0_lowered;
	[smem:$0x3FD2] =	sst s26  }
0x2d: {  	s5 =	sshll.u32 s27, $0x1;
	_ =	strace $0x8000004F;
	[dreg:$0x1] =	wrdreg $0xFFFFFFFF  }
0x2e: {  	s28 =	simm.s32 $_size_execute0_lowered;
	s3 =	sadd.s32 s3, s5;
	[dreg:$0x0] =	wrdreg $0x0  }
0x2f: {  	s5 =	sshll.u32 s28, $0x1;
	[dreg:$0x2] =	wrdreg s3  }
0x30: {  	[dreg:$0x3] =	wrdreg s5  }
0x31: {  	[dreg:$0x4] =	wrdreg $0xC0  }
0x32: {  	_ =	task [dreg:s23], $0x5FFFF  }
0x33: {  	[dreg:$0x1] =	wrdreg $0xFFFFFFFF  }
0x34: {  	[dreg:$0x0] =	wrdreg $0x60  }
0x35: {  	[dreg:$0x2] =	wrdreg s25  }
0x36: {  	[dreg:$0x3] =	wrdreg $0xA  }
0x37: {  	_ =	task.clear_ibuf [dreg:s23], $0x4FFFF;
	_ =	strace $0x9000004F  }
0x38: {  	s29 =	simm.s32 $0xA;
	_ =	strace $0x80000051  }
0x39: {  	_ =	swait.ge [sflag:s29], $0x1  }
0x3a: {  	[sflag:s29] =	ssyncadd.s32 $0xFFFFFFFF  }
0x3b: {  	_ =	strace $0x90000051  }
0x3c: {  	_ =	sfence  }
0x3d: {  	s30 =	sld [smem:$0x0];
	_ =	sdelay $0x2  }
0x3e: {  	s31 =	sshll.u32 s1, $0xD;
	s1 =	sshrl.u32 s1, $0x2  }
0x3f: {  	s4 =	sand.u32 $0x4000, s31;
	s1 =	sadd.s32 s1, s30  }
0x40: {  	s0 =	sor.u32 s4, s0;
	s1 =	sshll.u32 s1, $0x11  }
0x41: {  	s0 =	sor.u32 s1, s0  }
0x42: {  	s0 =	sadd.s32 $0x8F2B, s0  }
0x43: {  	[sflag:s0] =	ssyncadd.remote.s32 $0x1  }
0x44: {  	_ =	sfence.sel $0xFFFF  }
0x45: {  	[dreg:$0x0] =	wrdreg $0xFFFFFFFF;
	(pc) =	sbr.abs _section_cstart, $3  }
0x46: {  	[dreg:$0x1] =	wrdreg $0xFFFFFFFF  }
0x47: {  	_ =	task.clear_ibuf [dreg:s23], $0x2FFFF;
	_ =	strace $0x9FFFFFFF  }
0x48: {  	(tm) =	ssettm $0x7FFFFFFF  }
0x49: {  	_ =	shalt  }
tec
execute0_lowered:
.L_overlay_start_1:
0x0: {  	(tag) =	ssettag $0x1  }
0x1: {  	s0 =	srdreg.scid  }
0x2: {  	s1 =	sshll.u32 s0, $0x4  }
0x3: {  	s0 =	stileid.u32;
	s1 =	sand.u32 $0x10, s1  }
0x4: {  	s1 =	sor.u32 s0, s1  }
0x5: {  	s6 =	rddreg [dreg:$0x0];
	s7 =	simm.s32 $0x2;
	s2 =	sshll.u32 s1, $0x7  }
0x6: {  	s12 =	simm.s32 $0x0;
	s8 =	simm.s32 $0x10000;
	s1 =	ssub.s32 $0x2000, s2  }
0x7: {  	s13 =	simm.s32 $0x0;
	s9 =	simm.s32 $0x0;
	s3 =	sand.u32 $0xF80, s1  }
0x8: {  	s11 =	simm.s32 $0x0;
	p0 =	sne.s32 s3, $0x0;
	s3 =	simm.s32 $0x1  }
.Ltmp0:
0x9: {  	s4 =	sshrl.u32 s1, $0xC;
	s3 =	simm.s32 @!p0 $0x0;
	(pc) =	sbr.rel .LBB1_1-.Ltmp0, $4  }
0xa: {  	s5 =	sadd.s32 $0x2106600, s6;
	s1 =	rddreg [dreg:$0x1];
	s4 =	sadd.s32 s3, s4  }
0xb: {  	_ =	strace $0x80000050;
	s3 =	simm.s32 $0x1;
	s4 =	smul.u32 $0xC8, s4  }
0xc: {  	s6 =	sadd.s32 $0x1454600, s6;
	s10 =	smov.u32 s2;
	[sflag:s3] =	ssyncpa.u1 $0x0  }
0xd: {  	p0 =	por $0x0, $0x0;
	[sflag:s7] =	ssyncpa.u1 $0x0;
	s7 =	sor.u32 $0x1, s4  }
.LBB1_4:
0xe: {  	s16 =	sshll.u32 s13, $0x3;
	s17 =	sand.u32 $0x78, s13  }
0xf: {  	s30 =	sand.u32 $0xFC00, s13;
	s12 =	sshll.u32 s12, $0x10;
	s16 =	sand.u32 $0x1C00, s16  }
0x10: {  	[tilespmem:s15+$0x810 ss:$0x81] =	vst.msk $0xffff, v2;
	s31 =	sand.u32 $0x7, s13;
	s16 =	sor.u32 s17, s16;
	s17 =	sadd.s32 s6, s30  }
0x11: {  	[tilespmem:s15+$0x1020 ss:$0x81] =	vst.msk $0xffff, v0;
	s13 =	sshll.u32 s31, $0x12;
	s12 =	sadd.s32 s12, s17;
	s16 =	sshrl.u32 s16, $0x3  }
0x12: {  	[tilespmem:s15+$0x0 ss:$0x81] =	vst.msk $0xffff, v1;
	s13 =	sor.u32 $0x400, s13;
	s12 =	sadd.s32 s16, s12  }
0x13: {  	[hbm4b:s12+s13] =	stream.strided.scatter [tilespmem:s14], [sflag:$0x2], $0x2000, s8, s13, $0x20;
	[tilespmem:$0x8080] =	vst v63  }
.LBB1_5:
0x14: {  	s14 =	sadd.s32 $0x1, s9  }
0x15: {  	s12 =	sadd.s32 $0x1000, s10;
	s16 =	smov.u32 s10;
	p2 =	sgt.s32 s14, $0xC7  }
0x16: {  	s16 =	smov.u32 @p2 s12  }
0x17: {  	s14 =	simm.s32 @p2 $0x0;
	p2 =	sgt.s32 s16, $0x1FFF  }
0x18: {  	s16 =	smov.u32 @p2 s2;
	p2 =	sne.s32 s11, s7  }
.Ltmp1:
0x19: {  	p1 =	slt.u32 s11, $0x2;
	(pc) =	sbr.rel @!p2 .LBB1_6-.Ltmp1, $4  }
0x1a: {  	s15 =	simm.s32 @!p1 $0x2  }
0x1b: {  	s13 =	smov.u32 s10;
	p0 =	por !p0, !p0;
	_ =	swait.ge @!p1 [sflag:s15], $0x2000  }
0x1c: {  	s12 =	smov.u32 s9;
	[sflag:s15] =	ssyncset.done @!p1 $0x0;
	s9 =	smov.u32 s14  }
0x1d: {  	s11 =	sadd.s32 $0x1, s11;
	[sflag:s15] =	ssyncadd.s32 @!p1 $0xFFFFE000;
	s10 =	smov.u32 s16  }
.LBB1_1:
0x1e: {  	p1 =	sge.u32 s11, s4  }
0x1f: {  	s14 =	sand.u32 @!p1 $0x1FFFFFF, s9  }
0x20: {  	s15 =	smulhi.u32 @!p1 $0x147AE15, s14;
	_ =	sdelay $0x1  }
0x21: {  	s15 =	smul.u32 @!p1 $0xC8, s15  }
0x22: {  	s16 =	sxor.u32 @!p1 $0xFFFFFFFF, s11;
	s17 =	smul.u32 @!p1 $0xC80, s10  }
0x23: {  	s31 =	sadd.s32 $0xFFFFFFFF, s11;
	s16 =	sshll.u32 @!p1 s16, $0xD;
	s14 =	ssub.s32 @!p1 s14, s15  }
0x24: {  	s15 =	sand.u32 @!p1 $0x2000, s16;
	s16 =	sadd.s32 @!p1 s5, s17;
	s14 =	sshll.u32 @!p1 s14, $0x4  }
0x25: {  	s17 =	simm.s32 @!p1 $0x6400;
	s14 =	sadd.s32 @!p1 s14, s16;
	s16 =	simm.s32 @!p1 $0x40  }
0x26: {  	[tilespmem:s15], [sflag:$0x1] =	stream.strided.gather @!p1 [hbm4b:s14+s16], $0x2000, s17, s16, $0x38;
	[tilespmem:$0x8080] =	vst v63  }
0x27: {  	p1 =	sge.u32 s31, s4  }
.Ltmp2:
0x28: {  	_ = 	snop;
	(pc) =	sbr.rel @p1 .LBB1_5-.Ltmp2, $1  }
0x29: {  	_ =	sdelay $0x3  }
0x2a: {  	s14 =	simm.s32 $0x1  }
0x2b: {  	_ =	swait.ge [sflag:s3], $0x2000;
	s14 =	simm.s32 @!p0 $0x0  }
0x2c: {  	[sflag:s3] =	ssyncset.done $0x0;
	s15 =	sshll.u32 s14, $0xD  }
0x2d: {  	[sflag:s3] =	ssyncadd.s32 $0xFFFFE000;
	s18 =	sor.u32 $0x20, s15  }
0x2e: {  	s14 =	smul.u32 $0x8100, s14;
	v3 =	vld [tilespmem:s18+$0x10]  }
0x2f: {  	s30 =	sand.u32 $0x1, s11;
	v2 =	vld [tilespmem:s18+$0xFFFFFFF0]  }
0x30: {  	s15 =	smul.u32 $0x8100, s30;
	s14 =	sshrl.u32 s14, $0x2;
	v0 =	vld [tilespmem:s18+$0x0]  }
0x31: {  	v1 =	vld [tilespmem:s18+$0xFFFFFFE0];
	s16 =	sor.u32 $0x4000, s14  }
0x32: {  	s31 =	sshrl.u32 s15, $0x2;
	s15 =	sadd.s32 $0x0, s16  }
0x33: {  	s17 =	simm.s32 $0x4;
	s18 =	sadd.s32 $0x40, s18;
	s14 =	sor.u32 $0x4000, s31;
	[tilespmem:s15+$0x1830 ss:$0x81] =	vst.msk $0xffff, v3  }
.LBB1_3:
0x34: {  	v3 =	vld [tilespmem:s18+$0x10];
	p1 =	sne.s32 s17, $0x1FC;
	[tilespmem:s15+$0x810 ss:$0x81] =	vst.msk $0xffff, v2;
	s19 =	smov.u32 s17;
	s17 =	sadd.s32 $0x4, s17  }
.Ltmp3:
0x35: {  	v2 =	vld [tilespmem:s18+$0xFFFFFFF0];
	[tilespmem:s15+$0x1020 ss:$0x81] =	vst.msk $0xffff, v0;
	(pc) =	sbr.rel @p1 .LBB1_3-.Ltmp3, $4  }
0x36: {  	v0 =	vld [tilespmem:s18+$0x0];
	[tilespmem:s15+$0x0 ss:$0x81] =	vst.msk $0xffff, v1  }
0x37: {  	s15 =	sshra.s32 s19, $0x2;
	v1 =	vld [tilespmem:s18+$0xFFFFFFE0]  }
0x38: {  	s15 =	sadd.s32 s15, s16  }
0x39: {  	s18 =	sadd.s32 $0x40, s18;
	[tilespmem:s15+$0x1830 ss:$0x81] =	vst.msk $0xffff, v3  }
.Ltmp4:
0x3a: {  	_ = 	snop;
	(pc) =	sbr.rel .LBB1_4-.Ltmp4, $1  }
0x3b: {  	_ =	sdelay $0x3  }
.LBB1_6:
0x3c: {  	_ =	sfence.sel $0x180000  }
0x3d: {  	s2 =	simm.s32 $0x1;
	[bflag:$0x0] =	sbarrier.arrive $0xFFFF  }
0x3e: {  	s31 =	simm.s32 $0x2;
	[sflag:s2] =	ssyncpa.u1 $0x1  }
0x3f: {  	[sflag:s31] =	ssyncpa.u1 $0x1  }
0x40: {  	p0 =	sne.s32 s0, $0x0;
	_ =	strace $0x90000050  }
0x41: {  	s0 =	sadd.s32 @!p0 $0x100000, s1;
	[bflag:$0x2] =	sbarrier.arrive $0xFFFF  }
0x42: {  	[sflag:s0] =	ssyncadd.tile.s32 @!p0 $0x1;
	_ =	shalt  }
.Lfunc_end1:
_tile_overlayer_lowered:
.L_overlay_start_2:
0x43: {  	(tag) =	ssettag $0x2  }
0x44: {  	s0 =	rddreg [dreg:$0x0];
	s2 =	stileid.u32  }
0x45: {  	s1 =	rddreg [dreg:$0x1];
	p0 =	sne.s32 s2, $0x0  }
0x46: {  	s3 =	rddreg [dreg:$0x2];
	[bflag:$0x3] =	sbarrier.arrive $0xFFFF;
	s2 =	simm.s32 @!p0 $0x1C01  }
0x47: {  	[timem:s3], [sflag:s2] =	dma.local @!p0 [hbm:s0], s1  }
0x48: {  	s0 =	simm.s32 @!p0 $0x1  }
0x49: {  	_ =	swait.ge @!p0 [sflag:s0], s1  }
0x4a: {  	s1 =	ssub.s32 @!p0 $0x0, s1;
	[sflag:s0] =	ssyncset.done @!p0 $0x0  }
0x4b: {  	[sflag:s0] =	ssyncadd.s32 @!p0 s1  }
0x4c: {  	[bflag:$0x3] =	sbarrier.arrive $0xFFFF  }
0x4d: {  	_ =	shalt  }

</sc_bundles>
